<compile_context>
chip_gen: v7x
topology: tpu7x:2x2x1
jax: 0.10.2.dev20260603
libtpu: 0.0.44.dev20260713+nightly
codegen_flags: <defaults>
</compile_context>

<pallas_src>
import functools

import jax
import jax.numpy as jnp
from jax import lax
from jax.experimental import pallas as pl
from jax.experimental.pallas import tpu as pltpu
from jax.experimental.pallas import tpu_sc as plsc

_VOCAB = 1000000
_D = 32
_BATCH = 4096
_SEQ = 50
_B = _BATCH * _SEQ
_NC, _NS = 2, 16
_NW = _NC * _NS
_BPW = _B // _NW
_CH = 640
_NCHUNK = _BPW // _CH
_LAG = 4
_NBUF = _LAG + 1

_mesh = plsc.VectorSubcoreMesh(core_axis_name="c", subcore_axis_name="s")


@functools.partial(
    pl.kernel,
    mesh=_mesh,
    out_type=jax.ShapeDtypeStruct((_B, _D), jnp.float32),
    scratch_types=[
        pltpu.VMEM((_BPW,), jnp.int32),
        pltpu.VMEM((_NBUF, _CH, _D), jnp.float32),
        pltpu.SemaphoreType.DMA,
        pltpu.SemaphoreType.DMA,
    ],
    compiler_params=pltpu.CompilerParams(
        use_tc_tiling_on_sc=False,
        skip_device_barrier=True,
        disable_bounds_checks=True,
        disable_semaphore_checks=True,
    ),
)
def _gather_kernel(idx_hbm, table_hbm, rows_hbm, idx_v, rows_v, gsem, ssem):
    wid = lax.axis_index("s") * _NC + lax.axis_index("c")
    base = wid * _BPW
    pltpu.sync_copy(idx_hbm.at[pl.ds(base, _BPW)], idx_v)

    gathers = [None] * _NCHUNK
    stores = [None] * _NCHUNK

    def start_gather(c):
        gathers[c] = pltpu.async_copy(
            table_hbm.at[idx_v.at[pl.ds(c * _CH, _CH)]],
            rows_v.at[c % _NBUF], gsem)

    for c in range(min(_LAG, _NCHUNK)):
        start_gather(c)

    for c in range(_NCHUNK):
        nxt = c + _LAG
        if nxt < _NCHUNK:
            if c >= 1:
                stores[c - 1].wait()
                stores[c - 1] = None
            start_gather(nxt)
        gathers[c].wait()
        stores[c] = pltpu.async_copy(
            rows_v.at[c % _NBUF],
            rows_hbm.at[pl.ds(base + c * _CH, _CH)], ssem)

    for c in range(_NCHUNK):
        if stores[c] is not None:
            stores[c].wait()


def kernel(def_sens, embed_weight):
    idx_flat = def_sens.T.reshape(-1).astype(jnp.int32)
    rows = _gather_kernel(idx_flat, embed_weight)
    return jnp.transpose(rows.reshape(_SEQ, _BATCH, _D), (1, 0, 2))

# --- scband reference (transcript-rebuilt; emitter-appended) ---
"""Pipeline reference for scband-base-encoder-2886218023091 (READ-ONLY COPY).

The authoritative reference and input builder live on the scoring server;
editing this copy changes nothing except your own understanding.
"""

import jax, jax.numpy as jnp
import numpy as np

VOCAB = 1000000
EMB_DIM = 32
BATCH = 4096
SEQ = 50

def setup_inputs(seed: int = 0) -> dict:
    key = jax.random.key(seed)
    k_idx, k_tab = jax.random.split(key)
    def_sens = jax.random.randint(k_idx, (BATCH, SEQ), 0, VOCAB, dtype=jnp.int64 if jax.config.jax_enable_x64 else jnp.int32)
    embed_weight = jax.random.normal(k_tab, (VOCAB, EMB_DIM), dtype=jnp.float32) * 0.02
    return {"def_sens": def_sens, "embed_weight": embed_weight}

def reference(def_sens, embed_weight):
    # nn.Embedding lookup: gather rows of the table by token index.
    # BaseEncoder.forward is abstract; the concrete shared computation is
    # self.embed(def_sens) -> float32[B, L, emb_dim].
    out = jnp.take(embed_weight, def_sens, axis=0)
    return out

if __name__ == "__main__":
    import jax
    _d = setup_inputs()
    print(jax.jit(kernel)(*tuple(_d.values())))

</pallas_src>

<mosaic_0001>
#map = affine_map<(d0, d1) -> (0)>
#map1 = affine_map<(d0, d1) -> (0, 0)>
module attributes {stable_mosaic.version = 14 : i64} {
  func.func @_gather_kernel(%arg0: i32, %arg1: i32, %arg2: memref<204800xi32, #tpu.memory_space<hbm>>, %arg3: memref<1000000x32xf32, #tpu.memory_space<hbm>>, %arg4: memref<204800x32xf32, #tpu.memory_space<hbm>>, %arg5: memref<6400xi32, #tpu.memory_space<vmem>>, %arg6: memref<5x640x32xf32, #tpu.memory_space<vmem>>, %arg7: memref<!tpu.dma_semaphore, #tpu.memory_space<semaphore_mem>>, %arg8: memref<!tpu.dma_semaphore, #tpu.memory_space<semaphore_mem>>) attributes {dimension_semantics = [#tpu.dimension_semantics<core_parallel>, #tpu.dimension_semantics<subcore_parallel>], iteration_bounds = array<i64: 2, 16>, scalar_prefetch = 0 : i64, scratch_operands = 4 : i64, tpu.core_type = #tpu.core_type<sc_vector_subcore>, window_params = [{transform_indices = #map}, {transform_indices = #map1}, {transform_indices = #map1}]} {
    %mul3A = arith.constant 2 : i32
    %mul3A_0 = arith.muli %arg1, %mul3A : i32
    %add3A = arith.addi %mul3A_0, %arg0 : i32
    %mul3A_1 = arith.constant 6400 : i32
    %mul3A_2 = arith.muli %add3A, %mul3A_1 : i32
    "tpu.region"() ({
      %run_scoped3A = tpu.sem_alloc : memref<!tpu.dma_semaphore, #tpu.memory_space<semaphore_mem>>
      %dma_start3A_481 = tpu.memref_slice %arg2[%mul3A_2] : memref<204800xi32, #tpu.memory_space<hbm>> -> memref<6400xi32, #tpu.memory_space<hbm>>
      %dma_start3A_482 = tpu.memref_slice %arg2[%mul3A_2] : memref<204800xi32, #tpu.memory_space<hbm>> -> memref<6400xi32, #tpu.memory_space<hbm>>
      tpu.enqueue_dma source(%dma_start3A_482 : memref<6400xi32, #tpu.memory_space<hbm>>) target(%arg5 : memref<6400xi32, #tpu.memory_space<vmem>>) target_semaphore(%run_scoped3A : memref<!tpu.dma_semaphore, #tpu.memory_space<semaphore_mem>>)
      %dma_wait3A_483 = tpu.memref_slice %arg2[%mul3A_2] : memref<204800xi32, #tpu.memory_space<hbm>> -> memref<6400xi32, #tpu.memory_space<hbm>>
      %dma_wait3A_484 = tpu.memref_slice %arg2[%mul3A_2] : memref<204800xi32, #tpu.memory_space<hbm>> -> memref<6400xi32, #tpu.memory_space<hbm>>
      tpu.wait_dma2 semaphore(%run_scoped3A : memref<!tpu.dma_semaphore, #tpu.memory_space<semaphore_mem>>) src(%dma_wait3A_484 : memref<6400xi32, #tpu.memory_space<hbm>>) dst(%arg5 : memref<6400xi32, #tpu.memory_space<vmem>>)
      tpu.yield
    }) : () -> ()
    %dma_start3A = arith.constant 0 : i32
    %dma_start3A_3 = arith.constant 0 : i32
    %dma_start3A_4 = arith.constant 0 : i32
    %dma_start3A_5 = tpu.memref_slice %arg6[%dma_start3A, %dma_start3A_3, %dma_start3A_4] : memref<5x640x32xf32, #tpu.memory_space<vmem>> -> memref<1x640x32xf32, #tpu.memory_space<vmem>>
    %dma_start3A_6 = tpu.memref_squeeze %dma_start3A_5 : memref<1x640x32xf32, #tpu.memory_space<vmem>> -> memref<640x32xf32, #tpu.memory_space<vmem>>
    %dma_start3A_7 = arith.constant 0 : i32
    %dma_start3A_8 = tpu.memref_slice %arg5[%dma_start3A_7] : memref<6400xi32, #tpu.memory_space<vmem>> -> memref<640xi32, #tpu.memory_space<vmem>>
    %dma_start3A_9 = arith.constant 0 : i32
    %dma_start3A_10 = arith.constant 0 : i32
    %dma_start3A_11 = tpu.memref_slice %arg3[%dma_start3A_9, %dma_start3A_10] : memref<1000000x32xf32, #tpu.memory_space<hbm>> -> memref<1000000x32xf32, #tpu.memory_space<hbm>>
    tpu.enqueue_indirect_dma source(%dma_start3A_11 : memref<1000000x32xf32, #tpu.memory_space<hbm>>) target(%dma_start3A_6 : memref<640x32xf32, #tpu.memory_space<vmem>>) offsets(%dma_start3A_8 : memref<640xi32, #tpu.memory_space<vmem>>) semaphore(%arg7 : memref<!tpu.dma_semaphore, #tpu.memory_space<semaphore_mem>>)
    %dma_start3A_12 = arith.constant 1 : i32
    %dma_start3A_13 = arith.constant 0 : i32
    %dma_start3A_14 = arith.constant 0 : i32
    %dma_start3A_15 = tpu.memref_slice %arg6[%dma_start3A_12, %dma_start3A_13, %dma_start3A_14] : memref<5x640x32xf32, #tpu.memory_space<vmem>> -> memref<1x640x32xf32, #tpu.memory_space<vmem>>
    %dma_start3A_16 = tpu.memref_squeeze %dma_start3A_15 : memref<1x640x32xf32, #tpu.memory_space<vmem>> -> memref<640x32xf32, #tpu.memory_space<vmem>>
    %dma_start3A_17 = arith.constant 640 : i32
    %dma_start3A_18 = tpu.memref_slice %arg5[%dma_start3A_17] : memref<6400xi32, #tpu.memory_space<vmem>> -> memref<640xi32, #tpu.memory_space<vmem>>
    %dma_start3A_19 = arith.constant 0 : i32
    %dma_start3A_20 = arith.constant 0 : i32
    %dma_start3A_21 = tpu.memref_slice %arg3[%dma_start3A_19, %dma_start3A_20] : memref<1000000x32xf32, #tpu.memory_space<hbm>> -> memref<1000000x32xf32, #tpu.memory_space<hbm>>
    tpu.enqueue_indirect_dma source(%dma_start3A_21 : memref<1000000x32xf32, #tpu.memory_space<hbm>>) target(%dma_start3A_16 : memref<640x32xf32, #tpu.memory_space<vmem>>) offsets(%dma_start3A_18 : memref<640xi32, #tpu.memory_space<vmem>>) semaphore(%arg7 : memref<!tpu.dma_semaphore, #tpu.memory_space<semaphore_mem>>)
    %dma_start3A_22 = arith.constant 2 : i32
    %dma_start3A_23 = arith.constant 0 : i32
    %dma_start3A_24 = arith.constant 0 : i32
    %dma_start3A_25 = tpu.memref_slice %arg6[%dma_start3A_22, %dma_start3A_23, %dma_start3A_24] : memref<5x640x32xf32, #tpu.memory_space<vmem>> -> memref<1x640x32xf32, #tpu.memory_space<vmem>>
    %dma_start3A_26 = tpu.memref_squeeze %dma_start3A_25 : memref<1x640x32xf32, #tpu.memory_space<vmem>> -> memref<640x32xf32, #tpu.memory_space<vmem>>
    %dma_start3A_27 = arith.constant 1280 : i32
    %dma_start3A_28 = tpu.memref_slice %arg5[%dma_start3A_27] : memref<6400xi32, #tpu.memory_space<vmem>> -> memref<640xi32, #tpu.memory_space<vmem>>
    %dma_start3A_29 = arith.constant 0 : i32
    %dma_start3A_30 = arith.constant 0 : i32
    %dma_start3A_31 = tpu.memref_slice %arg3[%dma_start3A_29, %dma_start3A_30] : memref<1000000x32xf32, #tpu.memory_space<hbm>> -> memref<1000000x32xf32, #tpu.memory_space<hbm>>
    tpu.enqueue_indirect_dma source(%dma_start3A_31 : memref<1000000x32xf32, #tpu.memory_space<hbm>>) target(%dma_start3A_26 : memref<640x32xf32, #tpu.memory_space<vmem>>) offsets(%dma_start3A_28 : memref<640xi32, #tpu.memory_space<vmem>>) semaphore(%arg7 : memref<!tpu.dma_semaphore, #tpu.memory_space<semaphore_mem>>)
    %dma_start3A_32 = arith.constant 3 : i32
    %dma_start3A_33 = arith.constant 0 : i32
    %dma_start3A_34 = arith.constant 0 : i32
    %dma_start3A_35 = tpu.memref_slice %arg6[%dma_start3A_32, %dma_start3A_33, %dma_start3A_34] : memref<5x640x32xf32, #tpu.memory_space<vmem>> -> memref<1x640x32xf32, #tpu.memory_space<vmem>>
    %dma_start3A_36 = tpu.memref_squeeze %dma_start3A_35 : memref<1x640x32xf32, #tpu.memory_space<vmem>> -> memref<640x32xf32, #tpu.memory_space<vmem>>
    %dma_start3A_37 = arith.constant 1920 : i32
    %dma_start3A_38 = tpu.memref_slice %arg5[%dma_start3A_37] : memref<6400xi32, #tpu.memory_space<vmem>> -> memref<640xi32, #tpu.memory_space<vmem>>
    %dma_start3A_39 = arith.constant 0 : i32
    %dma_start3A_40 = arith.constant 0 : i32
    %dma_start3A_41 = tpu.memref_slice %arg3[%dma_start3A_39, %dma_start3A_40] : memref<1000000x32xf32, #tpu.memory_space<hbm>> -> memref<1000000x32xf32, #tpu.memory_space<hbm>>
    tpu.enqueue_indirect_dma source(%dma_start3A_41 : memref<1000000x32xf32, #tpu.memory_space<hbm>>) target(%dma_start3A_36 : memref<640x32xf32, #tpu.memory_space<vmem>>) offsets(%dma_start3A_38 : memref<640xi32, #tpu.memory_space<vmem>>) semaphore(%arg7 : memref<!tpu.dma_semaphore, #tpu.memory_space<semaphore_mem>>)
    %dma_start3A_42 = arith.constant 4 : i32
    %dma_start3A_43 = arith.constant 0 : i32
    %dma_start3A_44 = arith.constant 0 : i32
    %dma_start3A_45 = tpu.memref_slice %arg6[%dma_start3A_42, %dma_start3A_43, %dma_start3A_44] : memref<5x640x32xf32, #tpu.memory_space<vmem>> -> memref<1x640x32xf32, #tpu.memory_space<vmem>>
    %dma_start3A_46 = tpu.memref_squeeze %dma_start3A_45 : memref<1x640x32xf32, #tpu.memory_space<vmem>> -> memref<640x32xf32, #tpu.memory_space<vmem>>
    %dma_start3A_47 = arith.constant 2560 : i32
    %dma_start3A_48 = tpu.memref_slice %arg5[%dma_start3A_47] : memref<6400xi32, #tpu.memory_space<vmem>> -> memref<640xi32, #tpu.memory_space<vmem>>
    %dma_start3A_49 = arith.constant 0 : i32
    %dma_start3A_50 = arith.constant 0 : i32
    %dma_start3A_51 = tpu.memref_slice %arg3[%dma_start3A_49, %dma_start3A_50] : memref<1000000x32xf32, #tpu.memory_space<hbm>> -> memref<1000000x32xf32, #tpu.memory_space<hbm>>
    tpu.enqueue_indirect_dma source(%dma_start3A_51 : memref<1000000x32xf32, #tpu.memory_space<hbm>>) target(%dma_start3A_46 : memref<640x32xf32, #tpu.memory_space<vmem>>) offsets(%dma_start3A_48 : memref<640xi32, #tpu.memory_space<vmem>>) semaphore(%arg7 : memref<!tpu.dma_semaphore, #tpu.memory_space<semaphore_mem>>)
    %dma_wait3A = arith.constant 0 : i32
    %dma_wait3A_52 = arith.constant 0 : i32
    %dma_wait3A_53 = arith.constant 0 : i32
    %dma_wait3A_54 = tpu.memref_slice %arg6[%dma_wait3A, %dma_wait3A_52, %dma_wait3A_53] : memref<5x640x32xf32, #tpu.memory_space<vmem>> -> memref<1x640x32xf32, #tpu.memory_space<vmem>>
    %dma_wait3A_55 = tpu.memref_squeeze %dma_wait3A_54 : memref<1x640x32xf32, #tpu.memory_space<vmem>> -> memref<640x32xf32, #tpu.memory_space<vmem>>
    %dma_wait3A_56 = arith.constant 0 : i32
    %dma_wait3A_57 = tpu.memref_slice %arg5[%dma_wait3A_56] : memref<6400xi32, #tpu.memory_space<vmem>> -> memref<640xi32, #tpu.memory_space<vmem>>
    %dma_wait3A_58 = arith.constant 0 : i32
    %dma_wait3A_59 = arith.constant 0 : i32
    %dma_wait3A_60 = tpu.memref_slice %arg3[%dma_wait3A_58, %dma_wait3A_59] : memref<1000000x32xf32, #tpu.memory_space<hbm>> -> memref<1000000x32xf32, #tpu.memory_space<hbm>>
    tpu.wait_indirect_dma semaphore(%arg7 : memref<!tpu.dma_semaphore, #tpu.memory_space<semaphore_mem>>) src(%dma_wait3A_60 : memref<1000000x32xf32, #tpu.memory_space<hbm>>) dst(%dma_wait3A_55 : memref<640x32xf32, #tpu.memory_space<vmem>>)
    %add3A_61 = arith.constant 0 : i32
    %add3A_62 = arith.addi %mul3A_2, %add3A_61 : i32
    %dma_start3A_63 = arith.constant 0 : i32
    %dma_start3A_64 = arith.constant 0 : i32
    %dma_start3A_65 = arith.constant 0 : i32
    %dma_start3A_66 = tpu.memref_slice %arg6[%dma_start3A_63, %dma_start3A_64, %dma_start3A_65] : memref<5x640x32xf32, #tpu.memory_space<vmem>> -> memref<1x640x32xf32, #tpu.memory_space<vmem>>
    %dma_start3A_67 = tpu.memref_squeeze %dma_start3A_66 : memref<1x640x32xf32, #tpu.memory_space<vmem>> -> memref<640x32xf32, #tpu.memory_space<vmem>>
    %dma_start3A_68 = arith.constant 0 : i32
    %dma_start3A_69 = tpu.memref_slice %arg4[%add3A_62, %dma_start3A_68] : memref<204800x32xf32, #tpu.memory_space<hbm>> -> memref<640x32xf32, #tpu.memory_space<hbm>>
    %dma_start3A_70 = arith.constant 0 : i32
    %dma_start3A_71 = tpu.memref_slice %arg4[%add3A_62, %dma_start3A_70] : memref<204800x32xf32, #tpu.memory_space<hbm>> -> memref<640x32xf32, #tpu.memory_space<hbm>>
    %dma_start3A_72 = arith.constant 0 : i32
    %dma_start3A_73 = arith.constant 0 : i32
    %dma_start3A_74 = tpu.memref_slice %arg6[%dma_start3A_63, %dma_start3A_72, %dma_start3A_73] : memref<5x640x32xf32, #tpu.memory_space<vmem>> -> memref<1x640x32xf32, #tpu.memory_space<vmem>>
    %dma_start3A_75 = tpu.memref_squeeze %dma_start3A_74 : memref<1x640x32xf32, #tpu.memory_space<vmem>> -> memref<640x32xf32, #tpu.memory_space<vmem>>
    tpu.enqueue_dma source(%dma_start3A_75 : memref<640x32xf32, #tpu.memory_space<vmem>>) target(%dma_start3A_71 : memref<640x32xf32, #tpu.memory_space<hbm>>) target_semaphore(%arg8 : memref<!tpu.dma_semaphore, #tpu.memory_space<semaphore_mem>>)
    %dma_wait3A_76 = arith.constant 0 : i32
    %dma_wait3A_77 = arith.constant 0 : i32
    %dma_wait3A_78 = arith.constant 0 : i32
    %dma_wait3A_79 = tpu.memref_slice %arg6[%dma_wait3A_76, %dma_wait3A_77, %dma_wait3A_78] : memref<5x640x32xf32, #tpu.memory_space<vmem>> -> memref<1x640x32xf32, #tpu.memory_space<vmem>>
    %dma_wait3A_80 = tpu.memref_squeeze %dma_wait3A_79 : memref<1x640x32xf32, #tpu.memory_space<vmem>> -> memref<640x32xf32, #tpu.memory_space<vmem>>
    %dma_wait3A_81 = arith.constant 0 : i32
    %dma_wait3A_82 = tpu.memref_slice %arg4[%add3A_62, %dma_wait3A_81] : memref<204800x32xf32, #tpu.memory_space<hbm>> -> memref<640x32xf32, #tpu.memory_space<hbm>>
    %dma_wait3A_83 = arith.constant 0 : i32
    %dma_wait3A_84 = tpu.memref_slice %arg4[%add3A_62, %dma_wait3A_83] : memref<204800x32xf32, #tpu.memory_space<hbm>> -> memref<640x32xf32, #tpu.memory_space<hbm>>
    %dma_wait3A_85 = arith.constant 0 : i32
    %dma_wait3A_86 = arith.constant 0 : i32
    %dma_wait3A_87 = tpu.memref_slice %arg6[%dma_wait3A_76, %dma_wait3A_85, %dma_wait3A_86] : memref<5x640x32xf32, #tpu.memory_space<vmem>> -> memref<1x640x32xf32, #tpu.memory_space<vmem>>
    %dma_wait3A_88 = tpu.memref_squeeze %dma_wait3A_87 : memref<1x640x32xf32, #tpu.memory_space<vmem>> -> memref<640x32xf32, #tpu.memory_space<vmem>>
    tpu.wait_dma2 semaphore(%arg8 : memref<!tpu.dma_semaphore, #tpu.memory_space<semaphore_mem>>) src(%dma_wait3A_88 : memref<640x32xf32, #tpu.memory_space<vmem>>) dst(%dma_wait3A_84 : memref<640x32xf32, #tpu.memory_space<hbm>>)
    %dma_start3A_89 = arith.constant 0 : i32
    %dma_start3A_90 = arith.constant 0 : i32
    %dma_start3A_91 = arith.constant 0 : i32
    %dma_start3A_92 = tpu.memref_slice %arg6[%dma_start3A_89, %dma_start3A_90, %dma_start3A_91] : memref<5x640x32xf32, #tpu.memory_space<vmem>> -> memref<1x640x32xf32, #tpu.memory_space<vmem>>
    %dma_start3A_93 = tpu.memref_squeeze %dma_start3A_92 : memref<1x640x32xf32, #tpu.memory_space<vmem>> -> memref<640x32xf32, #tpu.memory_space<vmem>>
    %dma_start3A_94 = arith.constant 3200 : i32
    %dma_start3A_95 = tpu.memref_slice %arg5[%dma_start3A_94] : memref<6400xi32, #tpu.memory_space<vmem>> -> memref<640xi32, #tpu.memory_space<vmem>>
    %dma_start3A_96 = arith.constant 0 : i32
    %dma_start3A_97 = arith.constant 0 : i32
    %dma_start3A_98 = tpu.memref_slice %arg3[%dma_start3A_96, %dma_start3A_97] : memref<1000000x32xf32, #tpu.memory_space<hbm>> -> memref<1000000x32xf32, #tpu.memory_space<hbm>>
    tpu.enqueue_indirect_dma source(%dma_start3A_98 : memref<1000000x32xf32, #tpu.memory_space<hbm>>) target(%dma_start3A_93 : memref<640x32xf32, #tpu.memory_space<vmem>>) offsets(%dma_start3A_95 : memref<640xi32, #tpu.memory_space<vmem>>) semaphore(%arg7 : memref<!tpu.dma_semaphore, #tpu.memory_space<semaphore_mem>>)
    %dma_wait3A_99 = arith.constant 1 : i32
    %dma_wait3A_100 = arith.constant 0 : i32
    %dma_wait3A_101 = arith.constant 0 : i32
    %dma_wait3A_102 = tpu.memref_slice %arg6[%dma_wait3A_99, %dma_wait3A_100, %dma_wait3A_101] : memref<5x640x32xf32, #tpu.memory_space<vmem>> -> memref<1x640x32xf32, #tpu.memory_space<vmem>>
    %dma_wait3A_103 = tpu.memref_squeeze %dma_wait3A_102 : memref<1x640x32xf32, #tpu.memory_space<vmem>> -> memref<640x32xf32, #tpu.memory_space<vmem>>
    %dma_wait3A_104 = arith.constant 640 : i32
    %dma_wait3A_105 = tpu.memref_slice %arg5[%dma_wait3A_104] : memref<6400xi32, #tpu.memory_space<vmem>> -> memref<640xi32, #tpu.memory_space<vmem>>
    %dma_wait3A_106 = arith.constant 0 : i32
    %dma_wait3A_107 = arith.constant 0 : i32
    %dma_wait3A_108 = tpu.memref_slice %arg3[%dma_wait3A_106, %dma_wait3A_107] : memref<1000000x32xf32, #tpu.memory_space<hbm>> -> memref<1000000x32xf32, #tpu.memory_space<hbm>>
    tpu.wait_indirect_dma semaphore(%arg7 : memref<!tpu.dma_semaphore, #tpu.memory_space<semaphore_mem>>) src(%dma_wait3A_108 : memref<1000000x32xf32, #tpu.memory_space<hbm>>) dst(%dma_wait3A_103 : memref<640x32xf32, #tpu.memory_space<vmem>>)
    %add3A_109 = arith.constant 640 : i32
    %add3A_110 = arith.addi %mul3A_2, %add3A_109 : i32
    %dma_start3A_111 = arith.constant 1 : i32
    %dma_start3A_112 = arith.constant 0 : i32
    %dma_start3A_113 = arith.constant 0 : i32
    %dma_start3A_114 = tpu.memref_slice %arg6[%dma_start3A_111, %dma_start3A_112, %dma_start3A_113] : memref<5x640x32xf32, #tpu.memory_space<vmem>> -> memref<1x640x32xf32, #tpu.memory_space<vmem>>
    %dma_start3A_115 = tpu.memref_squeeze %dma_start3A_114 : memref<1x640x32xf32, #tpu.memory_space<vmem>> -> memref<640x32xf32, #tpu.memory_space<vmem>>
    %dma_start3A_116 = arith.constant 0 : i32
    %dma_start3A_117 = tpu.memref_slice %arg4[%add3A_110, %dma_start3A_116] : memref<204800x32xf32, #tpu.memory_space<hbm>> -> memref<640x32xf32, #tpu.memory_space<hbm>>
    %dma_start3A_118 = arith.constant 0 : i32
    %dma_start3A_119 = tpu.memref_slice %arg4[%add3A_110, %dma_start3A_118] : memref<204800x32xf32, #tpu.memory_space<hbm>> -> memref<640x32xf32, #tpu.memory_space<hbm>>
    %dma_start3A_120 = arith.constant 0 : i32
    %dma_start3A_121 = arith.constant 0 : i32
    %dma_start3A_122 = tpu.memref_slice %arg6[%dma_start3A_111, %dma_start3A_120, %dma_start3A_121] : memref<5x640x32xf32, #tpu.memory_space<vmem>> -> memref<1x640x32xf32, #tpu.memory_space<vmem>>
    %dma_start3A_123 = tpu.memref_squeeze %dma_start3A_122 : memref<1x640x32xf32, #tpu.memory_space<vmem>> -> memref<640x32xf32, #tpu.memory_space<vmem>>
    tpu.enqueue_dma source(%dma_start3A_123 : memref<640x32xf32, #tpu.memory_space<vmem>>) target(%dma_start3A_119 : memref<640x32xf32, #tpu.memory_space<hbm>>) target_semaphore(%arg8 : memref<!tpu.dma_semaphore, #tpu.memory_space<semaphore_mem>>)
    %dma_wait3A_124 = arith.constant 1 : i32
    %dma_wait3A_125 = arith.constant 0 : i32
    %dma_wait3A_126 = arith.constant 0 : i32
    %dma_wait3A_127 = tpu.memref_slice %arg6[%dma_wait3A_124, %dma_wait3A_125, %dma_wait3A_126] : memref<5x640x32xf32, #tpu.memory_space<vmem>> -> memref<1x640x32xf32, #tpu.memory_space<vmem>>
    %dma_wait3A_128 = tpu.memref_squeeze %dma_wait3A_127 : memref<1x640x32xf32, #tpu.memory_space<vmem>> -> memref<640x32xf32, #tpu.memory_space<vmem>>
    %dma_wait3A_129 = arith.constant 0 : i32
    %dma_wait3A_130 = tpu.memref_slice %arg4[%add3A_110, %dma_wait3A_129] : memref<204800x32xf32, #tpu.memory_space<hbm>> -> memref<640x32xf32, #tpu.memory_space<hbm>>
    %dma_wait3A_131 = arith.constant 0 : i32
    %dma_wait3A_132 = tpu.memref_slice %arg4[%add3A_110, %dma_wait3A_131] : memref<204800x32xf32, #tpu.memory_space<hbm>> -> memref<640x32xf32, #tpu.memory_space<hbm>>
    %dma_wait3A_133 = arith.constant 0 : i32
    %dma_wait3A_134 = arith.constant 0 : i32
    %dma_wait3A_135 = tpu.memref_slice %arg6[%dma_wait3A_124, %dma_wait3A_133, %dma_wait3A_134] : memref<5x640x32xf32, #tpu.memory_space<vmem>> -> memref<1x640x32xf32, #tpu.memory_space<vmem>>
    %dma_wait3A_136 = tpu.memref_squeeze %dma_wait3A_135 : memref<1x640x32xf32, #tpu.memory_space<vmem>> -> memref<640x32xf32, #tpu.memory_space<vmem>>
    tpu.wait_dma2 semaphore(%arg8 : memref<!tpu.dma_semaphore, #tpu.memory_space<semaphore_mem>>) src(%dma_wait3A_136 : memref<640x32xf32, #tpu.memory_space<vmem>>) dst(%dma_wait3A_132 : memref<640x32xf32, #tpu.memory_space<hbm>>)
    %dma_start3A_137 = arith.constant 1 : i32
    %dma_start3A_138 = arith.constant 0 : i32
    %dma_start3A_139 = arith.constant 0 : i32
    %dma_start3A_140 = tpu.memref_slice %arg6[%dma_start3A_137, %dma_start3A_138, %dma_start3A_139] : memref<5x640x32xf32, #tpu.memory_space<vmem>> -> memref<1x640x32xf32, #tpu.memory_space<vmem>>
    %dma_start3A_141 = tpu.memref_squeeze %dma_start3A_140 : memref<1x640x32xf32, #tpu.memory_space<vmem>> -> memref<640x32xf32, #tpu.memory_space<vmem>>
    %dma_start3A_142 = arith.constant 3840 : i32
    %dma_start3A_143 = tpu.memref_slice %arg5[%dma_start3A_142] : memref<6400xi32, #tpu.memory_space<vmem>> -> memref<640xi32, #tpu.memory_space<vmem>>
    %dma_start3A_144 = arith.constant 0 : i32
    %dma_start3A_145 = arith.constant 0 : i32
    %dma_start3A_146 = tpu.memref_slice %arg3[%dma_start3A_144, %dma_start3A_145] : memref<1000000x32xf32, #tpu.memory_space<hbm>> -> memref<1000000x32xf32, #tpu.memory_space<hbm>>
    tpu.enqueue_indirect_dma source(%dma_start3A_146 : memref<1000000x32xf32, #tpu.memory_space<hbm>>) target(%dma_start3A_141 : memref<640x32xf32, #tpu.memory_space<vmem>>) offsets(%dma_start3A_143 : memref<640xi32, #tpu.memory_space<vmem>>) semaphore(%arg7 : memref<!tpu.dma_semaphore, #tpu.memory_space<semaphore_mem>>)
    %dma_wait3A_147 = arith.constant 2 : i32
    %dma_wait3A_148 = arith.constant 0 : i32
    %dma_wait3A_149 = arith.constant 0 : i32
    %dma_wait3A_150 = tpu.memref_slice %arg6[%dma_wait3A_147, %dma_wait3A_148, %dma_wait3A_149] : memref<5x640x32xf32, #tpu.memory_space<vmem>> -> memref<1x640x32xf32, #tpu.memory_space<vmem>>
    %dma_wait3A_151 = tpu.memref_squeeze %dma_wait3A_150 : memref<1x640x32xf32, #tpu.memory_space<vmem>> -> memref<640x32xf32, #tpu.memory_space<vmem>>
    %dma_wait3A_152 = arith.constant 1280 : i32
    %dma_wait3A_153 = tpu.memref_slice %arg5[%dma_wait3A_152] : memref<6400xi32, #tpu.memory_space<vmem>> -> memref<640xi32, #tpu.memory_space<vmem>>
    %dma_wait3A_154 = arith.constant 0 : i32
    %dma_wait3A_155 = arith.constant 0 : i32
    %dma_wait3A_156 = tpu.memref_slice %arg3[%dma_wait3A_154, %dma_wait3A_155] : memref<1000000x32xf32, #tpu.memory_space<hbm>> -> memref<1000000x32xf32, #tpu.memory_space<hbm>>
    tpu.wait_indirect_dma semaphore(%arg7 : memref<!tpu.dma_semaphore, #tpu.memory_space<semaphore_mem>>) src(%dma_wait3A_156 : memref<1000000x32xf32, #tpu.memory_space<hbm>>) dst(%dma_wait3A_151 : memref<640x32xf32, #tpu.memory_space<vmem>>)
    %add3A_157 = arith.constant 1280 : i32
    %add3A_158 = arith.addi %mul3A_2, %add3A_157 : i32
    %dma_start3A_159 = arith.constant 2 : i32
    %dma_start3A_160 = arith.constant 0 : i32
    %dma_start3A_161 = arith.constant 0 : i32
    %dma_start3A_162 = tpu.memref_slice %arg6[%dma_start3A_159, %dma_start3A_160, %dma_start3A_161] : memref<5x640x32xf32, #tpu.memory_space<vmem>> -> memref<1x640x32xf32, #tpu.memory_space<vmem>>
    %dma_start3A_163 = tpu.memref_squeeze %dma_start3A_162 : memref<1x640x32xf32, #tpu.memory_space<vmem>> -> memref<640x32xf32, #tpu.memory_space<vmem>>
    %dma_start3A_164 = arith.constant 0 : i32
    %dma_start3A_165 = tpu.memref_slice %arg4[%add3A_158, %dma_start3A_164] : memref<204800x32xf32, #tpu.memory_space<hbm>> -> memref<640x32xf32, #tpu.memory_space<hbm>>
    %dma_start3A_166 = arith.constant 0 : i32
    %dma_start3A_167 = tpu.memref_slice %arg4[%add3A_158, %dma_start3A_166] : memref<204800x32xf32, #tpu.memory_space<hbm>> -> memref<640x32xf32, #tpu.memory_space<hbm>>
    %dma_start3A_168 = arith.constant 0 : i32
    %dma_start3A_169 = arith.constant 0 : i32
    %dma_start3A_170 = tpu.memref_slice %arg6[%dma_start3A_159, %dma_start3A_168, %dma_start3A_169] : memref<5x640x32xf32, #tpu.memory_space<vmem>> -> memref<1x640x32xf32, #tpu.memory_space<vmem>>
    %dma_start3A_171 = tpu.memref_squeeze %dma_start3A_170 : memref<1x640x32xf32, #tpu.memory_space<vmem>> -> memref<640x32xf32, #tpu.memory_space<vmem>>
    tpu.enqueue_dma source(%dma_start3A_171 : memref<640x32xf32, #tpu.memory_space<vmem>>) target(%dma_start3A_167 : memref<640x32xf32, #tpu.memory_space<hbm>>) target_semaphore(%arg8 : memref<!tpu.dma_semaphore, #tpu.memory_space<semaphore_mem>>)
    %dma_wait3A_172 = arith.constant 2 : i32
    %dma_wait3A_173 = arith.constant 0 : i32
    %dma_wait3A_174 = arith.constant 0 : i32
    %dma_wait3A_175 = tpu.memref_slice %arg6[%dma_wait3A_172, %dma_wait3A_173, %dma_wait3A_174] : memref<5x640x32xf32, #tpu.memory_space<vmem>> -> memref<1x640x32xf32, #tpu.memory_space<vmem>>
    %dma_wait3A_176 = tpu.memref_squeeze %dma_wait3A_175 : memref<1x640x32xf32, #tpu.memory_space<vmem>> -> memref<640x32xf32, #tpu.memory_space<vmem>>
    %dma_wait3A_177 = arith.constant 0 : i32
    %dma_wait3A_178 = tpu.memref_slice %arg4[%add3A_158, %dma_wait3A_177] : memref<204800x32xf32, #tpu.memory_space<hbm>> -> memref<640x32xf32, #tpu.memory_space<hbm>>
    %dma_wait3A_179 = arith.constant 0 : i32
    %dma_wait3A_180 = tpu.memref_slice %arg4[%add3A_158, %dma_wait3A_179] : memref<204800x32xf32, #tpu.memory_space<hbm>> -> memref<640x32xf32, #tpu.memory_space<hbm>>
    %dma_wait3A_181 = arith.constant 0 : i32
    %dma_wait3A_182 = arith.constant 0 : i32
    %dma_wait3A_183 = tpu.memref_slice %arg6[%dma_wait3A_172, %dma_wait3A_181, %dma_wait3A_182] : memref<5x640x32xf32, #tpu.memory_space<vmem>> -> memref<1x640x32xf32, #tpu.memory_space<vmem>>
    %dma_wait3A_184 = tpu.memref_squeeze %dma_wait3A_183 : memref<1x640x32xf32, #tpu.memory_space<vmem>> -> memref<640x32xf32, #tpu.memory_space<vmem>>
    tpu.wait_dma2 semaphore(%arg8 : memref<!tpu.dma_semaphore, #tpu.memory_space<semaphore_mem>>) src(%dma_wait3A_184 : memref<640x32xf32, #tpu.memory_space<vmem>>) dst(%dma_wait3A_180 : memref<640x32xf32, #tpu.memory_space<hbm>>)
    %dma_start3A_185 = arith.constant 2 : i32
    %dma_start3A_186 = arith.constant 0 : i32
    %dma_start3A_187 = arith.constant 0 : i32
    %dma_start3A_188 = tpu.memref_slice %arg6[%dma_start3A_185, %dma_start3A_186, %dma_start3A_187] : memref<5x640x32xf32, #tpu.memory_space<vmem>> -> memref<1x640x32xf32, #tpu.memory_space<vmem>>
    %dma_start3A_189 = tpu.memref_squeeze %dma_start3A_188 : memref<1x640x32xf32, #tpu.memory_space<vmem>> -> memref<640x32xf32, #tpu.memory_space<vmem>>
    %dma_start3A_190 = arith.constant 4480 : i32
    %dma_start3A_191 = tpu.memref_slice %arg5[%dma_start3A_190] : memref<6400xi32, #tpu.memory_space<vmem>> -> memref<640xi32, #tpu.memory_space<vmem>>
    %dma_start3A_192 = arith.constant 0 : i32
    %dma_start3A_193 = arith.constant 0 : i32
    %dma_start3A_194 = tpu.memref_slice %arg3[%dma_start3A_192, %dma_start3A_193] : memref<1000000x32xf32, #tpu.memory_space<hbm>> -> memref<1000000x32xf32, #tpu.memory_space<hbm>>
    tpu.enqueue_indirect_dma source(%dma_start3A_194 : memref<1000000x32xf32, #tpu.memory_space<hbm>>) target(%dma_start3A_189 : memref<640x32xf32, #tpu.memory_space<vmem>>) offsets(%dma_start3A_191 : memref<640xi32, #tpu.memory_space<vmem>>) semaphore(%arg7 : memref<!tpu.dma_semaphore, #tpu.memory_space<semaphore_mem>>)
    %dma_wait3A_195 = arith.constant 3 : i32
    %dma_wait3A_196 = arith.constant 0 : i32
    %dma_wait3A_197 = arith.constant 0 : i32
    %dma_wait3A_198 = tpu.memref_slice %arg6[%dma_wait3A_195, %dma_wait3A_196, %dma_wait3A_197] : memref<5x640x32xf32, #tpu.memory_space<vmem>> -> memref<1x640x32xf32, #tpu.memory_space<vmem>>
    %dma_wait3A_199 = tpu.memref_squeeze %dma_wait3A_198 : memref<1x640x32xf32, #tpu.memory_space<vmem>> -> memref<640x32xf32, #tpu.memory_space<vmem>>
    %dma_wait3A_200 = arith.constant 1920 : i32
    %dma_wait3A_201 = tpu.memref_slice %arg5[%dma_wait3A_200] : memref<6400xi32, #tpu.memory_space<vmem>> -> memref<640xi32, #tpu.memory_space<vmem>>
    %dma_wait3A_202 = arith.constant 0 : i32
    %dma_wait3A_203 = arith.constant 0 : i32
    %dma_wait3A_204 = tpu.memref_slice %arg3[%dma_wait3A_202, %dma_wait3A_203] : memref<1000000x32xf32, #tpu.memory_space<hbm>> -> memref<1000000x32xf32, #tpu.memory_space<hbm>>
    tpu.wait_indirect_dma semaphore(%arg7 : memref<!tpu.dma_semaphore, #tpu.memory_space<semaphore_mem>>) src(%dma_wait3A_204 : memref<1000000x32xf32, #tpu.memory_space<hbm>>) dst(%dma_wait3A_199 : memref<640x32xf32, #tpu.memory_space<vmem>>)
    %add3A_205 = arith.constant 1920 : i32
    %add3A_206 = arith.addi %mul3A_2, %add3A_205 : i32
    %dma_start3A_207 = arith.constant 3 : i32
    %dma_start3A_208 = arith.constant 0 : i32
    %dma_start3A_209 = arith.constant 0 : i32
    %dma_start3A_210 = tpu.memref_slice %arg6[%dma_start3A_207, %dma_start3A_208, %dma_start3A_209] : memref<5x640x32xf32, #tpu.memory_space<vmem>> -> memref<1x640x32xf32, #tpu.memory_space<vmem>>
    %dma_start3A_211 = tpu.memref_squeeze %dma_start3A_210 : memref<1x640x32xf32, #tpu.memory_space<vmem>> -> memref<640x32xf32, #tpu.memory_space<vmem>>
    %dma_start3A_212 = arith.constant 0 : i32
    %dma_start3A_213 = tpu.memref_slice %arg4[%add3A_206, %dma_start3A_212] : memref<204800x32xf32, #tpu.memory_space<hbm>> -> memref<640x32xf32, #tpu.memory_space<hbm>>
    %dma_start3A_214 = arith.constant 0 : i32
    %dma_start3A_215 = tpu.memref_slice %arg4[%add3A_206, %dma_start3A_214] : memref<204800x32xf32, #tpu.memory_space<hbm>> -> memref<640x32xf32, #tpu.memory_space<hbm>>
    %dma_start3A_216 = arith.constant 0 : i32
    %dma_start3A_217 = arith.constant 0 : i32
    %dma_start3A_218 = tpu.memref_slice %arg6[%dma_start3A_207, %dma_start3A_216, %dma_start3A_217] : memref<5x640x32xf32, #tpu.memory_space<vmem>> -> memref<1x640x32xf32, #tpu.memory_space<vmem>>
    %dma_start3A_219 = tpu.memref_squeeze %dma_start3A_218 : memref<1x640x32xf32, #tpu.memory_space<vmem>> -> memref<640x32xf32, #tpu.memory_space<vmem>>
    tpu.enqueue_dma source(%dma_start3A_219 : memref<640x32xf32, #tpu.memory_space<vmem>>) target(%dma_start3A_215 : memref<640x32xf32, #tpu.memory_space<hbm>>) target_semaphore(%arg8 : memref<!tpu.dma_semaphore, #tpu.memory_space<semaphore_mem>>)
    %dma_wait3A_220 = arith.constant 3 : i32
    %dma_wait3A_221 = arith.constant 0 : i32
    %dma_wait3A_222 = arith.constant 0 : i32
    %dma_wait3A_223 = tpu.memref_slice %arg6[%dma_wait3A_220, %dma_wait3A_221, %dma_wait3A_222] : memref<5x640x32xf32, #tpu.memory_space<vmem>> -> memref<1x640x32xf32, #tpu.memory_space<vmem>>
    %dma_wait3A_224 = tpu.memref_squeeze %dma_wait3A_223 : memref<1x640x32xf32, #tpu.memory_space<vmem>> -> memref<640x32xf32, #tpu.memory_space<vmem>>
    %dma_wait3A_225 = arith.constant 0 : i32
    %dma_wait3A_226 = tpu.memref_slice %arg4[%add3A_206, %dma_wait3A_225] : memref<204800x32xf32, #tpu.memory_space<hbm>> -> memref<640x32xf32, #tpu.memory_space<hbm>>
    %dma_wait3A_227 = arith.constant 0 : i32
    %dma_wait3A_228 = tpu.memref_slice %arg4[%add3A_206, %dma_wait3A_227] : memref<204800x32xf32, #tpu.memory_space<hbm>> -> memref<640x32xf32, #tpu.memory_space<hbm>>
    %dma_wait3A_229 = arith.constant 0 : i32
    %dma_wait3A_230 = arith.constant 0 : i32
    %dma_wait3A_231 = tpu.memref_slice %arg6[%dma_wait3A_220, %dma_wait3A_229, %dma_wait3A_230] : memref<5x640x32xf32, #tpu.memory_space<vmem>> -> memref<1x640x32xf32, #tpu.memory_space<vmem>>
    %dma_wait3A_232 = tpu.memref_squeeze %dma_wait3A_231 : memref<1x640x32xf32, #tpu.memory_space<vmem>> -> memref<640x32xf32, #tpu.memory_space<vmem>>
    tpu.wait_dma2 semaphore(%arg8 : memref<!tpu.dma_semaphore, #tpu.memory_space<semaphore_mem>>) src(%dma_wait3A_232 : memref<640x32xf32, #tpu.memory_space<vmem>>) dst(%dma_wait3A_228 : memref<640x32xf32, #tpu.memory_space<hbm>>)
    %dma_start3A_233 = arith.constant 3 : i32
    %dma_start3A_234 = arith.constant 0 : i32
    %dma_start3A_235 = arith.constant 0 : i32
    %dma_start3A_236 = tpu.memref_slice %arg6[%dma_start3A_233, %dma_start3A_234, %dma_start3A_235] : memref<5x640x32xf32, #tpu.memory_space<vmem>> -> memref<1x640x32xf32, #tpu.memory_space<vmem>>
    %dma_start3A_237 = tpu.memref_squeeze %dma_start3A_236 : memref<1x640x32xf32, #tpu.memory_space<vmem>> -> memref<640x32xf32, #tpu.memory_space<vmem>>
    %dma_start3A_238 = arith.constant 5120 : i32
    %dma_start3A_239 = tpu.memref_slice %arg5[%dma_start3A_238] : memref<6400xi32, #tpu.memory_space<vmem>> -> memref<640xi32, #tpu.memory_space<vmem>>
    %dma_start3A_240 = arith.constant 0 : i32
    %dma_start3A_241 = arith.constant 0 : i32
    %dma_start3A_242 = tpu.memref_slice %arg3[%dma_start3A_240, %dma_start3A_241] : memref<1000000x32xf32, #tpu.memory_space<hbm>> -> memref<1000000x32xf32, #tpu.memory_space<hbm>>
    tpu.enqueue_indirect_dma source(%dma_start3A_242 : memref<1000000x32xf32, #tpu.memory_space<hbm>>) target(%dma_start3A_237 : memref<640x32xf32, #tpu.memory_space<vmem>>) offsets(%dma_start3A_239 : memref<640xi32, #tpu.memory_space<vmem>>) semaphore(%arg7 : memref<!tpu.dma_semaphore, #tpu.memory_space<semaphore_mem>>)
    %dma_wait3A_243 = arith.constant 4 : i32
    %dma_wait3A_244 = arith.constant 0 : i32
    %dma_wait3A_245 = arith.constant 0 : i32
    %dma_wait3A_246 = tpu.memref_slice %arg6[%dma_wait3A_243, %dma_wait3A_244, %dma_wait3A_245] : memref<5x640x32xf32, #tpu.memory_space<vmem>> -> memref<1x640x32xf32, #tpu.memory_space<vmem>>
    %dma_wait3A_247 = tpu.memref_squeeze %dma_wait3A_246 : memref<1x640x32xf32, #tpu.memory_space<vmem>> -> memref<640x32xf32, #tpu.memory_space<vmem>>
    %dma_wait3A_248 = arith.constant 2560 : i32
    %dma_wait3A_249 = tpu.memref_slice %arg5[%dma_wait3A_248] : memref<6400xi32, #tpu.memory_space<vmem>> -> memref<640xi32, #tpu.memory_space<vmem>>
    %dma_wait3A_250 = arith.constant 0 : i32
    %dma_wait3A_251 = arith.constant 0 : i32
    %dma_wait3A_252 = tpu.memref_slice %arg3[%dma_wait3A_250, %dma_wait3A_251] : memref<1000000x32xf32, #tpu.memory_space<hbm>> -> memref<1000000x32xf32, #tpu.memory_space<hbm>>
    tpu.wait_indirect_dma semaphore(%arg7 : memref<!tpu.dma_semaphore, #tpu.memory_space<semaphore_mem>>) src(%dma_wait3A_252 : memref<1000000x32xf32, #tpu.memory_space<hbm>>) dst(%dma_wait3A_247 : memref<640x32xf32, #tpu.memory_space<vmem>>)
    %add3A_253 = arith.constant 2560 : i32
    %add3A_254 = arith.addi %mul3A_2, %add3A_253 : i32
    %dma_start3A_255 = arith.constant 4 : i32
    %dma_start3A_256 = arith.constant 0 : i32
    %dma_start3A_257 = arith.constant 0 : i32
    %dma_start3A_258 = tpu.memref_slice %arg6[%dma_start3A_255, %dma_start3A_256, %dma_start3A_257] : memref<5x640x32xf32, #tpu.memory_space<vmem>> -> memref<1x640x32xf32, #tpu.memory_space<vmem>>
    %dma_start3A_259 = tpu.memref_squeeze %dma_start3A_258 : memref<1x640x32xf32, #tpu.memory_space<vmem>> -> memref<640x32xf32, #tpu.memory_space<vmem>>
    %dma_start3A_260 = arith.constant 0 : i32
    %dma_start3A_261 = tpu.memref_slice %arg4[%add3A_254, %dma_start3A_260] : memref<204800x32xf32, #tpu.memory_space<hbm>> -> memref<640x32xf32, #tpu.memory_space<hbm>>
    %dma_start3A_262 = arith.constant 0 : i32
    %dma_start3A_263 = tpu.memref_slice %arg4[%add3A_254, %dma_start3A_262] : memref<204800x32xf32, #tpu.memory_space<hbm>> -> memref<640x32xf32, #tpu.memory_space<hbm>>
    %dma_start3A_264 = arith.constant 0 : i32
    %dma_start3A_265 = arith.constant 0 : i32
    %dma_start3A_266 = tpu.memref_slice %arg6[%dma_start3A_255, %dma_start3A_264, %dma_start3A_265] : memref<5x640x32xf32, #tpu.memory_space<vmem>> -> memref<1x640x32xf32, #tpu.memory_space<vmem>>
    %dma_start3A_267 = tpu.memref_squeeze %dma_start3A_266 : memref<1x640x32xf32, #tpu.memory_space<vmem>> -> memref<640x32xf32, #tpu.memory_space<vmem>>
    tpu.enqueue_dma source(%dma_start3A_267 : memref<640x32xf32, #tpu.memory_space<vmem>>) target(%dma_start3A_263 : memref<640x32xf32, #tpu.memory_space<hbm>>) target_semaphore(%arg8 : memref<!tpu.dma_semaphore, #tpu.memory_space<semaphore_mem>>)
    %dma_wait3A_268 = arith.constant 4 : i32
    %dma_wait3A_269 = arith.constant 0 : i32
    %dma_wait3A_270 = arith.constant 0 : i32
    %dma_wait3A_271 = tpu.memref_slice %arg6[%dma_wait3A_268, %dma_wait3A_269, %dma_wait3A_270] : memref<5x640x32xf32, #tpu.memory_space<vmem>> -> memref<1x640x32xf32, #tpu.memory_space<vmem>>
    %dma_wait3A_272 = tpu.memref_squeeze %dma_wait3A_271 : memref<1x640x32xf32, #tpu.memory_space<vmem>> -> memref<640x32xf32, #tpu.memory_space<vmem>>
    %dma_wait3A_273 = arith.constant 0 : i32
    %dma_wait3A_274 = tpu.memref_slice %arg4[%add3A_254, %dma_wait3A_273] : memref<204800x32xf32, #tpu.memory_space<hbm>> -> memref<640x32xf32, #tpu.memory_space<hbm>>
    %dma_wait3A_275 = arith.constant 0 : i32
    %dma_wait3A_276 = tpu.memref_slice %arg4[%add3A_254, %dma_wait3A_275] : memref<204800x32xf32, #tpu.memory_space<hbm>> -> memref<640x32xf32, #tpu.memory_space<hbm>>
    %dma_wait3A_277 = arith.constant 0 : i32
    %dma_wait3A_278 = arith.constant 0 : i32
    %dma_wait3A_279 = tpu.memref_slice %arg6[%dma_wait3A_268, %dma_wait3A_277, %dma_wait3A_278] : memref<5x640x32xf32, #tpu.memory_space<vmem>> -> memref<1x640x32xf32, #tpu.memory_space<vmem>>
    %dma_wait3A_280 = tpu.memref_squeeze %dma_wait3A_279 : memref<1x640x32xf32, #tpu.memory_space<vmem>> -> memref<640x32xf32, #tpu.memory_space<vmem>>
    tpu.wait_dma2 semaphore(%arg8 : memref<!tpu.dma_semaphore, #tpu.memory_space<semaphore_mem>>) src(%dma_wait3A_280 : memref<640x32xf32, #tpu.memory_space<vmem>>) dst(%dma_wait3A_276 : memref<640x32xf32, #tpu.memory_space<hbm>>)
    %dma_start3A_281 = arith.constant 4 : i32
    %dma_start3A_282 = arith.constant 0 : i32
    %dma_start3A_283 = arith.constant 0 : i32
    %dma_start3A_284 = tpu.memref_slice %arg6[%dma_start3A_281, %dma_start3A_282, %dma_start3A_283] : memref<5x640x32xf32, #tpu.memory_space<vmem>> -> memref<1x640x32xf32, #tpu.memory_space<vmem>>
    %dma_start3A_285 = tpu.memref_squeeze %dma_start3A_284 : memref<1x640x32xf32, #tpu.memory_space<vmem>> -> memref<640x32xf32, #tpu.memory_space<vmem>>
    %dma_start3A_286 = arith.constant 5760 : i32
    %dma_start3A_287 = tpu.memref_slice %arg5[%dma_start3A_286] : memref<6400xi32, #tpu.memory_space<vmem>> -> memref<640xi32, #tpu.memory_space<vmem>>
    %dma_start3A_288 = arith.constant 0 : i32
    %dma_start3A_289 = arith.constant 0 : i32
    %dma_start3A_290 = tpu.memref_slice %arg3[%dma_start3A_288, %dma_start3A_289] : memref<1000000x32xf32, #tpu.memory_space<hbm>> -> memref<1000000x32xf32, #tpu.memory_space<hbm>>
    tpu.enqueue_indirect_dma source(%dma_start3A_290 : memref<1000000x32xf32, #tpu.memory_space<hbm>>) target(%dma_start3A_285 : memref<640x32xf32, #tpu.memory_space<vmem>>) offsets(%dma_start3A_287 : memref<640xi32, #tpu.memory_space<vmem>>) semaphore(%arg7 : memref<!tpu.dma_semaphore, #tpu.memory_space<semaphore_mem>>)
    %dma_wait3A_291 = arith.constant 0 : i32
    %dma_wait3A_292 = arith.constant 0 : i32
    %dma_wait3A_293 = arith.constant 0 : i32
    %dma_wait3A_294 = tpu.memref_slice %arg6[%dma_wait3A_291, %dma_wait3A_292, %dma_wait3A_293] : memref<5x640x32xf32, #tpu.memory_space<vmem>> -> memref<1x640x32xf32, #tpu.memory_space<vmem>>
    %dma_wait3A_295 = tpu.memref_squeeze %dma_wait3A_294 : memref<1x640x32xf32, #tpu.memory_space<vmem>> -> memref<640x32xf32, #tpu.memory_space<vmem>>
    %dma_wait3A_296 = arith.constant 3200 : i32
    %dma_wait3A_297 = tpu.memref_slice %arg5[%dma_wait3A_296] : memref<6400xi32, #tpu.memory_space<vmem>> -> memref<640xi32, #tpu.memory_space<vmem>>
    %dma_wait3A_298 = arith.constant 0 : i32
    %dma_wait3A_299 = arith.constant 0 : i32
    %dma_wait3A_300 = tpu.memref_slice %arg3[%dma_wait3A_298, %dma_wait3A_299] : memref<1000000x32xf32, #tpu.memory_space<hbm>> -> memref<1000000x32xf32, #tpu.memory_space<hbm>>
    tpu.wait_indirect_dma semaphore(%arg7 : memref<!tpu.dma_semaphore, #tpu.memory_space<semaphore_mem>>) src(%dma_wait3A_300 : memref<1000000x32xf32, #tpu.memory_space<hbm>>) dst(%dma_wait3A_295 : memref<640x32xf32, #tpu.memory_space<vmem>>)
    %add3A_301 = arith.constant 3200 : i32
    %add3A_302 = arith.addi %mul3A_2, %add3A_301 : i32
    %dma_start3A_303 = arith.constant 0 : i32
    %dma_start3A_304 = arith.constant 0 : i32
    %dma_start3A_305 = arith.constant 0 : i32
    %dma_start3A_306 = tpu.memref_slice %arg6[%dma_start3A_303, %dma_start3A_304, %dma_start3A_305] : memref<5x640x32xf32, #tpu.memory_space<vmem>> -> memref<1x640x32xf32, #tpu.memory_space<vmem>>
    %dma_start3A_307 = tpu.memref_squeeze %dma_start3A_306 : memref<1x640x32xf32, #tpu.memory_space<vmem>> -> memref<640x32xf32, #tpu.memory_space<vmem>>
    %dma_start3A_308 = arith.constant 0 : i32
    %dma_start3A_309 = tpu.memref_slice %arg4[%add3A_302, %dma_start3A_308] : memref<204800x32xf32, #tpu.memory_space<hbm>> -> memref<640x32xf32, #tpu.memory_space<hbm>>
    %dma_start3A_310 = arith.constant 0 : i32
    %dma_start3A_311 = tpu.memref_slice %arg4[%add3A_302, %dma_start3A_310] : memref<204800x32xf32, #tpu.memory_space<hbm>> -> memref<640x32xf32, #tpu.memory_space<hbm>>
    %dma_start3A_312 = arith.constant 0 : i32
    %dma_start3A_313 = arith.constant 0 : i32
    %dma_start3A_314 = tpu.memref_slice %arg6[%dma_start3A_303, %dma_start3A_312, %dma_start3A_313] : memref<5x640x32xf32, #tpu.memory_space<vmem>> -> memref<1x640x32xf32, #tpu.memory_space<vmem>>
    %dma_start3A_315 = tpu.memref_squeeze %dma_start3A_314 : memref<1x640x32xf32, #tpu.memory_space<vmem>> -> memref<640x32xf32, #tpu.memory_space<vmem>>
    tpu.enqueue_dma source(%dma_start3A_315 : memref<640x32xf32, #tpu.memory_space<vmem>>) target(%dma_start3A_311 : memref<640x32xf32, #tpu.memory_space<hbm>>) target_semaphore(%arg8 : memref<!tpu.dma_semaphore, #tpu.memory_space<semaphore_mem>>)
    %dma_wait3A_316 = arith.constant 1 : i32
    %dma_wait3A_317 = arith.constant 0 : i32
    %dma_wait3A_318 = arith.constant 0 : i32
    %dma_wait3A_319 = tpu.memref_slice %arg6[%dma_wait3A_316, %dma_wait3A_317, %dma_wait3A_318] : memref<5x640x32xf32, #tpu.memory_space<vmem>> -> memref<1x640x32xf32, #tpu.memory_space<vmem>>
    %dma_wait3A_320 = tpu.memref_squeeze %dma_wait3A_319 : memref<1x640x32xf32, #tpu.memory_space<vmem>> -> memref<640x32xf32, #tpu.memory_space<vmem>>
    %dma_wait3A_321 = arith.constant 3840 : i32
    %dma_wait3A_322 = tpu.memref_slice %arg5[%dma_wait3A_321] : memref<6400xi32, #tpu.memory_space<vmem>> -> memref<640xi32, #tpu.memory_space<vmem>>
    %dma_wait3A_323 = arith.constant 0 : i32
    %dma_wait3A_324 = arith.constant 0 : i32
    %dma_wait3A_325 = tpu.memref_slice %arg3[%dma_wait3A_323, %dma_wait3A_324] : memref<1000000x32xf32, #tpu.memory_space<hbm>> -> memref<1000000x32xf32, #tpu.memory_space<hbm>>
    tpu.wait_indirect_dma semaphore(%arg7 : memref<!tpu.dma_semaphore, #tpu.memory_space<semaphore_mem>>) src(%dma_wait3A_325 : memref<1000000x32xf32, #tpu.memory_space<hbm>>) dst(%dma_wait3A_320 : memref<640x32xf32, #tpu.memory_space<vmem>>)
    %add3A_326 = arith.constant 3840 : i32
    %add3A_327 = arith.addi %mul3A_2, %add3A_326 : i32
    %dma_start3A_328 = arith.constant 1 : i32
    %dma_start3A_329 = arith.constant 0 : i32
    %dma_start3A_330 = arith.constant 0 : i32
    %dma_start3A_331 = tpu.memref_slice %arg6[%dma_start3A_328, %dma_start3A_329, %dma_start3A_330] : memref<5x640x32xf32, #tpu.memory_space<vmem>> -> memref<1x640x32xf32, #tpu.memory_space<vmem>>
    %dma_start3A_332 = tpu.memref_squeeze %dma_start3A_331 : memref<1x640x32xf32, #tpu.memory_space<vmem>> -> memref<640x32xf32, #tpu.memory_space<vmem>>
    %dma_start3A_333 = arith.constant 0 : i32
    %dma_start3A_334 = tpu.memref_slice %arg4[%add3A_327, %dma_start3A_333] : memref<204800x32xf32, #tpu.memory_space<hbm>> -> memref<640x32xf32, #tpu.memory_space<hbm>>
    %dma_start3A_335 = arith.constant 0 : i32
    %dma_start3A_336 = tpu.memref_slice %arg4[%add3A_327, %dma_start3A_335] : memref<204800x32xf32, #tpu.memory_space<hbm>> -> memref<640x32xf32, #tpu.memory_space<hbm>>
    %dma_start3A_337 = arith.constant 0 : i32
    %dma_start3A_338 = arith.constant 0 : i32
    %dma_start3A_339 = tpu.memref_slice %arg6[%dma_start3A_328, %dma_start3A_337, %dma_start3A_338] : memref<5x640x32xf32, #tpu.memory_space<vmem>> -> memref<1x640x32xf32, #tpu.memory_space<vmem>>
    %dma_start3A_340 = tpu.memref_squeeze %dma_start3A_339 : memref<1x640x32xf32, #tpu.memory_space<vmem>> -> memref<640x32xf32, #tpu.memory_space<vmem>>
    tpu.enqueue_dma source(%dma_start3A_340 : memref<640x32xf32, #tpu.memory_space<vmem>>) target(%dma_start3A_336 : memref<640x32xf32, #tpu.memory_space<hbm>>) target_semaphore(%arg8 : memref<!tpu.dma_semaphore, #tpu.memory_space<semaphore_mem>>)
    %dma_wait3A_341 = arith.constant 2 : i32
    %dma_wait3A_342 = arith.constant 0 : i32
    %dma_wait3A_343 = arith.constant 0 : i32
    %dma_wait3A_344 = tpu.memref_slice %arg6[%dma_wait3A_341, %dma_wait3A_342, %dma_wait3A_343] : memref<5x640x32xf32, #tpu.memory_space<vmem>> -> memref<1x640x32xf32, #tpu.memory_space<vmem>>
    %dma_wait3A_345 = tpu.memref_squeeze %dma_wait3A_344 : memref<1x640x32xf32, #tpu.memory_space<vmem>> -> memref<640x32xf32, #tpu.memory_space<vmem>>
    %dma_wait3A_346 = arith.constant 4480 : i32
    %dma_wait3A_347 = tpu.memref_slice %arg5[%dma_wait3A_346] : memref<6400xi32, #tpu.memory_space<vmem>> -> memref<640xi32, #tpu.memory_space<vmem>>
    %dma_wait3A_348 = arith.constant 0 : i32
    %dma_wait3A_349 = arith.constant 0 : i32
    %dma_wait3A_350 = tpu.memref_slice %arg3[%dma_wait3A_348, %dma_wait3A_349] : memref<1000000x32xf32, #tpu.memory_space<hbm>> -> memref<1000000x32xf32, #tpu.memory_space<hbm>>
    tpu.wait_indirect_dma semaphore(%arg7 : memref<!tpu.dma_semaphore, #tpu.memory_space<semaphore_mem>>) src(%dma_wait3A_350 : memref<1000000x32xf32, #tpu.memory_space<hbm>>) dst(%dma_wait3A_345 : memref<640x32xf32, #tpu.memory_space<vmem>>)
    %add3A_351 = arith.constant 4480 : i32
    %add3A_352 = arith.addi %mul3A_2, %add3A_351 : i32
    %dma_start3A_353 = arith.constant 2 : i32
    %dma_start3A_354 = arith.constant 0 : i32
    %dma_start3A_355 = arith.constant 0 : i32
    %dma_start3A_356 = tpu.memref_slice %arg6[%dma_start3A_353, %dma_start3A_354, %dma_start3A_355] : memref<5x640x32xf32, #tpu.memory_space<vmem>> -> memref<1x640x32xf32, #tpu.memory_space<vmem>>
    %dma_start3A_357 = tpu.memref_squeeze %dma_start3A_356 : memref<1x640x32xf32, #tpu.memory_space<vmem>> -> memref<640x32xf32, #tpu.memory_space<vmem>>
    %dma_start3A_358 = arith.constant 0 : i32
    %dma_start3A_359 = tpu.memref_slice %arg4[%add3A_352, %dma_start3A_358] : memref<204800x32xf32, #tpu.memory_space<hbm>> -> memref<640x32xf32, #tpu.memory_space<hbm>>
    %dma_start3A_360 = arith.constant 0 : i32
    %dma_start3A_361 = tpu.memref_slice %arg4[%add3A_352, %dma_start3A_360] : memref<204800x32xf32, #tpu.memory_space<hbm>> -> memref<640x32xf32, #tpu.memory_space<hbm>>
    %dma_start3A_362 = arith.constant 0 : i32
    %dma_start3A_363 = arith.constant 0 : i32
    %dma_start3A_364 = tpu.memref_slice %arg6[%dma_start3A_353, %dma_start3A_362, %dma_start3A_363] : memref<5x640x32xf32, #tpu.memory_space<vmem>> -> memref<1x640x32xf32, #tpu.memory_space<vmem>>
    %dma_start3A_365 = tpu.memref_squeeze %dma_start3A_364 : memref<1x640x32xf32, #tpu.memory_space<vmem>> -> memref<640x32xf32, #tpu.memory_space<vmem>>
    tpu.enqueue_dma source(%dma_start3A_365 : memref<640x32xf32, #tpu.memory_space<vmem>>) target(%dma_start3A_361 : memref<640x32xf32, #tpu.memory_space<hbm>>) target_semaphore(%arg8 : memref<!tpu.dma_semaphore, #tpu.memory_space<semaphore_mem>>)
    %dma_wait3A_366 = arith.constant 3 : i32
    %dma_wait3A_367 = arith.constant 0 : i32
    %dma_wait3A_368 = arith.constant 0 : i32
    %dma_wait3A_369 = tpu.memref_slice %arg6[%dma_wait3A_366, %dma_wait3A_367, %dma_wait3A_368] : memref<5x640x32xf32, #tpu.memory_space<vmem>> -> memref<1x640x32xf32, #tpu.memory_space<vmem>>
    %dma_wait3A_370 = tpu.memref_squeeze %dma_wait3A_369 : memref<1x640x32xf32, #tpu.memory_space<vmem>> -> memref<640x32xf32, #tpu.memory_space<vmem>>
    %dma_wait3A_371 = arith.constant 5120 : i32
    %dma_wait3A_372 = tpu.memref_slice %arg5[%dma_wait3A_371] : memref<6400xi32, #tpu.memory_space<vmem>> -> memref<640xi32, #tpu.memory_space<vmem>>
    %dma_wait3A_373 = arith.constant 0 : i32
    %dma_wait3A_374 = arith.constant 0 : i32
    %dma_wait3A_375 = tpu.memref_slice %arg3[%dma_wait3A_373, %dma_wait3A_374] : memref<1000000x32xf32, #tpu.memory_space<hbm>> -> memref<1000000x32xf32, #tpu.memory_space<hbm>>
    tpu.wait_indirect_dma semaphore(%arg7 : memref<!tpu.dma_semaphore, #tpu.memory_space<semaphore_mem>>) src(%dma_wait3A_375 : memref<1000000x32xf32, #tpu.memory_space<hbm>>) dst(%dma_wait3A_370 : memref<640x32xf32, #tpu.memory_space<vmem>>)
    %add3A_376 = arith.constant 5120 : i32
    %add3A_377 = arith.addi %mul3A_2, %add3A_376 : i32
    %dma_start3A_378 = arith.constant 3 : i32
    %dma_start3A_379 = arith.constant 0 : i32
    %dma_start3A_380 = arith.constant 0 : i32
    %dma_start3A_381 = tpu.memref_slice %arg6[%dma_start3A_378, %dma_start3A_379, %dma_start3A_380] : memref<5x640x32xf32, #tpu.memory_space<vmem>> -> memref<1x640x32xf32, #tpu.memory_space<vmem>>
    %dma_start3A_382 = tpu.memref_squeeze %dma_start3A_381 : memref<1x640x32xf32, #tpu.memory_space<vmem>> -> memref<640x32xf32, #tpu.memory_space<vmem>>
    %dma_start3A_383 = arith.constant 0 : i32
    %dma_start3A_384 = tpu.memref_slice %arg4[%add3A_377, %dma_start3A_383] : memref<204800x32xf32, #tpu.memory_space<hbm>> -> memref<640x32xf32, #tpu.memory_space<hbm>>
    %dma_start3A_385 = arith.constant 0 : i32
    %dma_start3A_386 = tpu.memref_slice %arg4[%add3A_377, %dma_start3A_385] : memref<204800x32xf32, #tpu.memory_space<hbm>> -> memref<640x32xf32, #tpu.memory_space<hbm>>
    %dma_start3A_387 = arith.constant 0 : i32
    %dma_start3A_388 = arith.constant 0 : i32
    %dma_start3A_389 = tpu.memref_slice %arg6[%dma_start3A_378, %dma_start3A_387, %dma_start3A_388] : memref<5x640x32xf32, #tpu.memory_space<vmem>> -> memref<1x640x32xf32, #tpu.memory_space<vmem>>
    %dma_start3A_390 = tpu.memref_squeeze %dma_start3A_389 : memref<1x640x32xf32, #tpu.memory_space<vmem>> -> memref<640x32xf32, #tpu.memory_space<vmem>>
    tpu.enqueue_dma source(%dma_start3A_390 : memref<640x32xf32, #tpu.memory_space<vmem>>) target(%dma_start3A_386 : memref<640x32xf32, #tpu.memory_space<hbm>>) target_semaphore(%arg8 : memref<!tpu.dma_semaphore, #tpu.memory_space<semaphore_mem>>)
    %dma_wait3A_391 = arith.constant 4 : i32
    %dma_wait3A_392 = arith.constant 0 : i32
    %dma_wait3A_393 = arith.constant 0 : i32
    %dma_wait3A_394 = tpu.memref_slice %arg6[%dma_wait3A_391, %dma_wait3A_392, %dma_wait3A_393] : memref<5x640x32xf32, #tpu.memory_space<vmem>> -> memref<1x640x32xf32, #tpu.memory_space<vmem>>
    %dma_wait3A_395 = tpu.memref_squeeze %dma_wait3A_394 : memref<1x640x32xf32, #tpu.memory_space<vmem>> -> memref<640x32xf32, #tpu.memory_space<vmem>>
    %dma_wait3A_396 = arith.constant 5760 : i32
    %dma_wait3A_397 = tpu.memref_slice %arg5[%dma_wait3A_396] : memref<6400xi32, #tpu.memory_space<vmem>> -> memref<640xi32, #tpu.memory_space<vmem>>
    %dma_wait3A_398 = arith.constant 0 : i32
    %dma_wait3A_399 = arith.constant 0 : i32
    %dma_wait3A_400 = tpu.memref_slice %arg3[%dma_wait3A_398, %dma_wait3A_399] : memref<1000000x32xf32, #tpu.memory_space<hbm>> -> memref<1000000x32xf32, #tpu.memory_space<hbm>>
    tpu.wait_indirect_dma semaphore(%arg7 : memref<!tpu.dma_semaphore, #tpu.memory_space<semaphore_mem>>) src(%dma_wait3A_400 : memref<1000000x32xf32, #tpu.memory_space<hbm>>) dst(%dma_wait3A_395 : memref<640x32xf32, #tpu.memory_space<vmem>>)
    %add3A_401 = arith.constant 5760 : i32
    %add3A_402 = arith.addi %mul3A_2, %add3A_401 : i32
    %dma_start3A_403 = arith.constant 4 : i32
    %dma_start3A_404 = arith.constant 0 : i32
    %dma_start3A_405 = arith.constant 0 : i32
    %dma_start3A_406 = tpu.memref_slice %arg6[%dma_start3A_403, %dma_start3A_404, %dma_start3A_405] : memref<5x640x32xf32, #tpu.memory_space<vmem>> -> memref<1x640x32xf32, #tpu.memory_space<vmem>>
    %dma_start3A_407 = tpu.memref_squeeze %dma_start3A_406 : memref<1x640x32xf32, #tpu.memory_space<vmem>> -> memref<640x32xf32, #tpu.memory_space<vmem>>
    %dma_start3A_408 = arith.constant 0 : i32
    %dma_start3A_409 = tpu.memref_slice %arg4[%add3A_402, %dma_start3A_408] : memref<204800x32xf32, #tpu.memory_space<hbm>> -> memref<640x32xf32, #tpu.memory_space<hbm>>
    %dma_start3A_410 = arith.constant 0 : i32
    %dma_start3A_411 = tpu.memref_slice %arg4[%add3A_402, %dma_start3A_410] : memref<204800x32xf32, #tpu.memory_space<hbm>> -> memref<640x32xf32, #tpu.memory_space<hbm>>
    %dma_start3A_412 = arith.constant 0 : i32
    %dma_start3A_413 = arith.constant 0 : i32
    %dma_start3A_414 = tpu.memref_slice %arg6[%dma_start3A_403, %dma_start3A_412, %dma_start3A_413] : memref<5x640x32xf32, #tpu.memory_space<vmem>> -> memref<1x640x32xf32, #tpu.memory_space<vmem>>
    %dma_start3A_415 = tpu.memref_squeeze %dma_start3A_414 : memref<1x640x32xf32, #tpu.memory_space<vmem>> -> memref<640x32xf32, #tpu.memory_space<vmem>>
    tpu.enqueue_dma source(%dma_start3A_415 : memref<640x32xf32, #tpu.memory_space<vmem>>) target(%dma_start3A_411 : memref<640x32xf32, #tpu.memory_space<hbm>>) target_semaphore(%arg8 : memref<!tpu.dma_semaphore, #tpu.memory_space<semaphore_mem>>)
    %dma_wait3A_416 = arith.constant 0 : i32
    %dma_wait3A_417 = arith.constant 0 : i32
    %dma_wait3A_418 = arith.constant 0 : i32
    %dma_wait3A_419 = tpu.memref_slice %arg6[%dma_wait3A_416, %dma_wait3A_417, %dma_wait3A_418] : memref<5x640x32xf32, #tpu.memory_space<vmem>> -> memref<1x640x32xf32, #tpu.memory_space<vmem>>
    %dma_wait3A_420 = tpu.memref_squeeze %dma_wait3A_419 : memref<1x640x32xf32, #tpu.memory_space<vmem>> -> memref<640x32xf32, #tpu.memory_space<vmem>>
    %dma_wait3A_421 = arith.constant 0 : i32
    %dma_wait3A_422 = tpu.memref_slice %arg4[%add3A_302, %dma_wait3A_421] : memref<204800x32xf32, #tpu.memory_space<hbm>> -> memref<640x32xf32, #tpu.memory_space<hbm>>
    %dma_wait3A_423 = arith.constant 0 : i32
    %dma_wait3A_424 = tpu.memref_slice %arg4[%add3A_302, %dma_wait3A_423] : memref<204800x32xf32, #tpu.memory_space<hbm>> -> memref<640x32xf32, #tpu.memory_space<hbm>>
    %dma_wait3A_425 = arith.constant 0 : i32
    %dma_wait3A_426 = arith.constant 0 : i32
    %dma_wait3A_427 = tpu.memref_slice %arg6[%dma_wait3A_416, %dma_wait3A_425, %dma_wait3A_426] : memref<5x640x32xf32, #tpu.memory_space<vmem>> -> memref<1x640x32xf32, #tpu.memory_space<vmem>>
    %dma_wait3A_428 = tpu.memref_squeeze %dma_wait3A_427 : memref<1x640x32xf32, #tpu.memory_space<vmem>> -> memref<640x32xf32, #tpu.memory_space<vmem>>
    tpu.wait_dma2 semaphore(%arg8 : memref<!tpu.dma_semaphore, #tpu.memory_space<semaphore_mem>>) src(%dma_wait3A_428 : memref<640x32xf32, #tpu.memory_space<vmem>>) dst(%dma_wait3A_424 : memref<640x32xf32, #tpu.memory_space<hbm>>)
    %dma_wait3A_429 = arith.constant 1 : i32
    %dma_wait3A_430 = arith.constant 0 : i32
    %dma_wait3A_431 = arith.constant 0 : i32
    %dma_wait3A_432 = tpu.memref_slice %arg6[%dma_wait3A_429, %dma_wait3A_430, %dma_wait3A_431] : memref<5x640x32xf32, #tpu.memory_space<vmem>> -> memref<1x640x32xf32, #tpu.memory_space<vmem>>
    %dma_wait3A_433 = tpu.memref_squeeze %dma_wait3A_432 : memref<1x640x32xf32, #tpu.memory_space<vmem>> -> memref<640x32xf32, #tpu.memory_space<vmem>>
    %dma_wait3A_434 = arith.constant 0 : i32
    %dma_wait3A_435 = tpu.memref_slice %arg4[%add3A_327, %dma_wait3A_434] : memref<204800x32xf32, #tpu.memory_space<hbm>> -> memref<640x32xf32, #tpu.memory_space<hbm>>
    %dma_wait3A_436 = arith.constant 0 : i32
    %dma_wait3A_437 = tpu.memref_slice %arg4[%add3A_327, %dma_wait3A_436] : memref<204800x32xf32, #tpu.memory_space<hbm>> -> memref<640x32xf32, #tpu.memory_space<hbm>>
    %dma_wait3A_438 = arith.constant 0 : i32
    %dma_wait3A_439 = arith.constant 0 : i32
    %dma_wait3A_440 = tpu.memref_slice %arg6[%dma_wait3A_429, %dma_wait3A_438, %dma_wait3A_439] : memref<5x640x32xf32, #tpu.memory_space<vmem>> -> memref<1x640x32xf32, #tpu.memory_space<vmem>>
    %dma_wait3A_441 = tpu.memref_squeeze %dma_wait3A_440 : memref<1x640x32xf32, #tpu.memory_space<vmem>> -> memref<640x32xf32, #tpu.memory_space<vmem>>
    tpu.wait_dma2 semaphore(%arg8 : memref<!tpu.dma_semaphore, #tpu.memory_space<semaphore_mem>>) src(%dma_wait3A_441 : memref<640x32xf32, #tpu.memory_space<vmem>>) dst(%dma_wait3A_437 : memref<640x32xf32, #tpu.memory_space<hbm>>)
    %dma_wait3A_442 = arith.constant 2 : i32
    %dma_wait3A_443 = arith.constant 0 : i32
    %dma_wait3A_444 = arith.constant 0 : i32
    %dma_wait3A_445 = tpu.memref_slice %arg6[%dma_wait3A_442, %dma_wait3A_443, %dma_wait3A_444] : memref<5x640x32xf32, #tpu.memory_space<vmem>> -> memref<1x640x32xf32, #tpu.memory_space<vmem>>
    %dma_wait3A_446 = tpu.memref_squeeze %dma_wait3A_445 : memref<1x640x32xf32, #tpu.memory_space<vmem>> -> memref<640x32xf32, #tpu.memory_space<vmem>>
    %dma_wait3A_447 = arith.constant 0 : i32
    %dma_wait3A_448 = tpu.memref_slice %arg4[%add3A_352, %dma_wait3A_447] : memref<204800x32xf32, #tpu.memory_space<hbm>> -> memref<640x32xf32, #tpu.memory_space<hbm>>
    %dma_wait3A_449 = arith.constant 0 : i32
    %dma_wait3A_450 = tpu.memref_slice %arg4[%add3A_352, %dma_wait3A_449] : memref<204800x32xf32, #tpu.memory_space<hbm>> -> memref<640x32xf32, #tpu.memory_space<hbm>>
    %dma_wait3A_451 = arith.constant 0 : i32
    %dma_wait3A_452 = arith.constant 0 : i32
    %dma_wait3A_453 = tpu.memref_slice %arg6[%dma_wait3A_442, %dma_wait3A_451, %dma_wait3A_452] : memref<5x640x32xf32, #tpu.memory_space<vmem>> -> memref<1x640x32xf32, #tpu.memory_space<vmem>>
    %dma_wait3A_454 = tpu.memref_squeeze %dma_wait3A_453 : memref<1x640x32xf32, #tpu.memory_space<vmem>> -> memref<640x32xf32, #tpu.memory_space<vmem>>
    tpu.wait_dma2 semaphore(%arg8 : memref<!tpu.dma_semaphore, #tpu.memory_space<semaphore_mem>>) src(%dma_wait3A_454 : memref<640x32xf32, #tpu.memory_space<vmem>>) dst(%dma_wait3A_450 : memref<640x32xf32, #tpu.memory_space<hbm>>)
    %dma_wait3A_455 = arith.constant 3 : i32
    %dma_wait3A_456 = arith.constant 0 : i32
    %dma_wait3A_457 = arith.constant 0 : i32
    %dma_wait3A_458 = tpu.memref_slice %arg6[%dma_wait3A_455, %dma_wait3A_456, %dma_wait3A_457] : memref<5x640x32xf32, #tpu.memory_space<vmem>> -> memref<1x640x32xf32, #tpu.memory_space<vmem>>
    %dma_wait3A_459 = tpu.memref_squeeze %dma_wait3A_458 : memref<1x640x32xf32, #tpu.memory_space<vmem>> -> memref<640x32xf32, #tpu.memory_space<vmem>>
    %dma_wait3A_460 = arith.constant 0 : i32
    %dma_wait3A_461 = tpu.memref_slice %arg4[%add3A_377, %dma_wait3A_460] : memref<204800x32xf32, #tpu.memory_space<hbm>> -> memref<640x32xf32, #tpu.memory_space<hbm>>
    %dma_wait3A_462 = arith.constant 0 : i32
    %dma_wait3A_463 = tpu.memref_slice %arg4[%add3A_377, %dma_wait3A_462] : memref<204800x32xf32, #tpu.memory_space<hbm>> -> memref<640x32xf32, #tpu.memory_space<hbm>>
    %dma_wait3A_464 = arith.constant 0 : i32
    %dma_wait3A_465 = arith.constant 0 : i32
    %dma_wait3A_466 = tpu.memref_slice %arg6[%dma_wait3A_455, %dma_wait3A_464, %dma_wait3A_465] : memref<5x640x32xf32, #tpu.memory_space<vmem>> -> memref<1x640x32xf32, #tpu.memory_space<vmem>>
    %dma_wait3A_467 = tpu.memref_squeeze %dma_wait3A_466 : memref<1x640x32xf32, #tpu.memory_space<vmem>> -> memref<640x32xf32, #tpu.memory_space<vmem>>
    tpu.wait_dma2 semaphore(%arg8 : memref<!tpu.dma_semaphore, #tpu.memory_space<semaphore_mem>>) src(%dma_wait3A_467 : memref<640x32xf32, #tpu.memory_space<vmem>>) dst(%dma_wait3A_463 : memref<640x32xf32, #tpu.memory_space<hbm>>)
    %dma_wait3A_468 = arith.constant 4 : i32
    %dma_wait3A_469 = arith.constant 0 : i32
    %dma_wait3A_470 = arith.constant 0 : i32
    %dma_wait3A_471 = tpu.memref_slice %arg6[%dma_wait3A_468, %dma_wait3A_469, %dma_wait3A_470] : memref<5x640x32xf32, #tpu.memory_space<vmem>> -> memref<1x640x32xf32, #tpu.memory_space<vmem>>
    %dma_wait3A_472 = tpu.memref_squeeze %dma_wait3A_471 : memref<1x640x32xf32, #tpu.memory_space<vmem>> -> memref<640x32xf32, #tpu.memory_space<vmem>>
    %dma_wait3A_473 = arith.constant 0 : i32
    %dma_wait3A_474 = tpu.memref_slice %arg4[%add3A_402, %dma_wait3A_473] : memref<204800x32xf32, #tpu.memory_space<hbm>> -> memref<640x32xf32, #tpu.memory_space<hbm>>
    %dma_wait3A_475 = arith.constant 0 : i32
    %dma_wait3A_476 = tpu.memref_slice %arg4[%add3A_402, %dma_wait3A_475] : memref<204800x32xf32, #tpu.memory_space<hbm>> -> memref<640x32xf32, #tpu.memory_space<hbm>>
    %dma_wait3A_477 = arith.constant 0 : i32
    %dma_wait3A_478 = arith.constant 0 : i32
    %dma_wait3A_479 = tpu.memref_slice %arg6[%dma_wait3A_468, %dma_wait3A_477, %dma_wait3A_478] : memref<5x640x32xf32, #tpu.memory_space<vmem>> -> memref<1x640x32xf32, #tpu.memory_space<vmem>>
    %dma_wait3A_480 = tpu.memref_squeeze %dma_wait3A_479 : memref<1x640x32xf32, #tpu.memory_space<vmem>> -> memref<640x32xf32, #tpu.memory_space<vmem>>
    tpu.wait_dma2 semaphore(%arg8 : memref<!tpu.dma_semaphore, #tpu.memory_space<semaphore_mem>>) src(%dma_wait3A_480 : memref<640x32xf32, #tpu.memory_space<vmem>>) dst(%dma_wait3A_476 : memref<640x32xf32, #tpu.memory_space<hbm>>)
    return
  }
}

</mosaic_0001>

<sc_bundles>
// kernel: kernel.3.cloned.1.call-start
scs
__scs_entry_jumppad:
0x0: {  	(pc) =	sbr.rel $0x88, $3  }
0x1: {  	(tag) =	ssettag $0x0;
	lr =	simm.s32 $0x1  }
0x2: {  	[smem:$0x3F9F] =	sst lr;
	_ =	strace $0xD0000000  }
0x3: {  	_ = 	snop  }
0x4: {  	_ = 	snop  }
0x5: {  	_ = 	snop  }
0x6: {  	_ = 	snop  }
0x7: {  	_ = 	snop  }
__scs_overlays_trampoline_lowered:
0x8: {  	[smem:$0x3FAE] =	sst s0  }
0x9: {  	[smem:$0x3FAF] =	sst s1  }
0xa: {  	[smem:$0x3FB0] =	sst s2  }
0xb: {  	[smem:$0x3FB1] =	sst s3  }
0xc: {  	[smem:$0x3FB2] =	sst s4  }
0xd: {  	[smem:$0x3FB3] =	sst s5  }
0xe: {  	[smem:$0x3FB4] =	sst s6  }
0xf: {  	[smem:$0x3FB5] =	sst s7  }
0x10: {  	[smem:$0x3FB6] =	sst s8  }
0x11: {  	[smem:$0x3FB7] =	sst s9;
	s0 =	simm.s32 @!p0 $0x0  }
0x12: {  	s1 =	sld [smem:$0x3F9D];
	s0 =	simm.s32 @p0 $0x1  }
0x13: {  	[smem:$0x3FB8] =	sst s0;
	s0 =	simm.s32 @!p1 $0x0  }
0x14: {  	s2 =	sld [smem:$0x3F9C];
	s0 =	simm.s32 @p1 $0x1  }
0x15: {  	[smem:$0x3FB9] =	sst s0;
	s0 =	simm.s32 @!p2 $0x0  }
0x16: {  	s3 =	sld [smem:$0x3FDB];
	s0 =	simm.s32 @p2 $0x1  }
0x17: {  	s4 =	simm.s32 $0x1BF5;
	[smem:$0x3FBB] =	sst s0  }
0x18: {  	s0 =	sld [smem:$0x3F9E];
	_ =	swait.ge [sflag:s4], $0x0  }
0x19: {  	s7 =	sld [smem:$0x3F9F]  }
0x1a: {  	s8 =	sadd.s32 $0xFFFFE003, lr  }
0x1b: {  	s9 =	sadd.s32 $0xFFFFFEF7, lr;
	s5 =	simm.s32 $0xFFFFFFFF;
	p2 =	slt.u32 s8, $0xFFFFF086  }
0x1c: {  	p1 =	slt.u32 s9, $0xF7A;
	s5 =	simm.s32 @!p2 $0x0  }
0x1d: {  	s5 =	simm.s32 @p1 $0x1;
	p0 =	seq.s32 s7, s2  }
0x1e: {  	s7 =	smul.u32 @!p0 $0xF7A, s2;
	p2 =	seq.s32 @!p0 s5, $0x0  }
0x1f: {  	s9 =	smul.u32 $0xF7A, s1;
	s8 =	simm.s32 @!p0 $0x1BF5;
	p2 =	por !p2, p0  }
0x20: {  	[sflag:s8] =	ssyncset.s32 @!p0 $0xFFFFF086;
	s6 =	sadd.s32 @!p0 s3, s7;
	s7 =	simm.s32 @!p0 $0x108  }
0x21: {  	s3 =	sadd.s32 s3, s9;
	s6 =	sadd.s32 @!p0 $0x88, s6;
	s7 =	simm.s32 @p2 $0x1082  }
0x22: {  	[simem:s7], [sflag:s8] =	dma.local @!p0 [hbm:s6], $0xF7A  }
0x23: {  	s9 =	sor.u32 $0xD0000000, s2;
	s6 =	simm.s32 $0x108;
	_ =	swait.ge @!p0 [sflag:s8], $0x0  }
0x24: {  	s3 =	sadd.s32 $0x88, s3;
	s6 =	simm.s32 @!p1 $0x1082;
	[sflag:s4] =	ssyncset.s32 $0xFFFFF086  }
0x25: {  	[simem:s6], [sflag:s4] =	dma.local [hbm:s3], $0xF7A  }
0x26: {  	[smem:$0x3F9F] =	sst s1;
	(tag) =	ssettag s2;
	_ =	strace s9  }
0x27: {  	s1 =	sld [smem:$0x3FAF]  }
0x28: {  	s2 =	sld [smem:$0x3FB0]  }
0x29: {  	s4 =	sld [smem:$0x3FB2]  }
0x2a: {  	p0 =	seq.s32 s5, $0x0;
	s5 =	sld [smem:$0x3FB3]  }
0x2b: {  	s6 =	sld [smem:$0x3FB4]  }
0x2c: {  	s7 =	sld [smem:$0x3FB5]  }
0x2d: {  	s3 =	simm.s32 $0x108;
	s8 =	sld [smem:$0x3FB6]  }
0x2e: {  	s3 =	simm.s32 @!p0 $0x1082;
	s9 =	sld [smem:$0x3FB7]  }
0x2f: {  	lr =	sadd.s32 s0, s3;
	s0 =	sld [smem:$0x3FAE]  }
0x30: {  	s3 =	sld [smem:$0x3FB1]  }
0x31: {  	[smem:$0x3FBA] =	sst s10  }
0x32: {  	s10 =	sld [smem:$0x3FB8];
	_ =	sdelay $0x3  }
0x33: {  	p0 =	seq.s32 s10, $0x1;
	s10 =	sld [smem:$0x3FBA];
	_ =	sdelay $0x3  }
0x34: {  	[smem:$0x3FBA] =	sst s10  }
0x35: {  	s10 =	sld [smem:$0x3FB9];
	_ =	sdelay $0x3  }
0x36: {  	p1 =	seq.s32 s10, $0x1;
	s10 =	sld [smem:$0x3FBA];
	_ =	sdelay $0x3  }
0x37: {  	[smem:$0x3FBA] =	sst s10  }
0x38: {  	s10 =	sld [smem:$0x3FBB]  }
0x39: {  	_ = 	snop;
	(pc) =	sbr.ind lr, $3  }
0x3a: {  	_ = 	snop  }
0x3b: {  	_ = 	snop  }
0x3c: {  	p2 =	seq.s32 s10, $0x1;
	s10 =	sld [smem:$0x3FBA]  }
0x3d: {  	_ =	shalt  }
0x3e: {  	_ =	shalt  }
0x3f: {  	_ =	shalt  }
0x40: {  	_ =	shalt  }
0x41: {  	_ =	shalt  }
0x42: {  	_ =	shalt  }
0x43: {  	_ =	shalt  }
0x44: {  	_ =	shalt  }
0x45: {  	_ =	shalt  }
0x46: {  	_ =	shalt  }
0x47: {  	_ =	shalt  }
0x48: {  	_ =	shalt  }
0x49: {  	_ =	shalt  }
0x4a: {  	_ =	shalt  }
0x4b: {  	_ =	shalt  }
0x4c: {  	_ =	shalt  }
0x4d: {  	_ =	shalt  }
0x4e: {  	_ =	shalt  }
0x4f: {  	_ =	shalt  }
0x50: {  	_ =	shalt  }
0x51: {  	_ =	shalt  }
0x52: {  	_ =	shalt  }
0x53: {  	_ =	shalt  }
0x54: {  	_ =	shalt  }
0x55: {  	_ =	shalt  }
0x56: {  	_ =	shalt  }
0x57: {  	_ =	shalt  }
0x58: {  	_ =	shalt  }
0x59: {  	_ =	shalt  }
0x5a: {  	_ =	shalt  }
0x5b: {  	_ =	shalt  }
0x5c: {  	_ =	shalt  }
0x5d: {  	_ =	shalt  }
0x5e: {  	_ =	shalt  }
0x5f: {  	_ =	shalt  }
0x60: {  	_ =	shalt  }
0x61: {  	_ =	shalt  }
0x62: {  	_ =	shalt  }
0x63: {  	_ =	shalt  }
0x64: {  	_ =	shalt  }
0x65: {  	_ =	shalt  }
0x66: {  	_ =	shalt  }
0x67: {  	_ =	shalt  }
0x68: {  	_ =	shalt  }
0x69: {  	_ =	shalt  }
0x6a: {  	_ =	shalt  }
0x6b: {  	_ =	shalt  }
0x6c: {  	_ =	shalt  }
0x6d: {  	_ =	shalt  }
0x6e: {  	_ =	shalt  }
0x6f: {  	_ =	shalt  }
0x70: {  	_ =	shalt  }
0x71: {  	_ =	shalt  }
0x72: {  	_ =	shalt  }
0x73: {  	_ =	shalt  }
0x74: {  	_ =	shalt  }
0x75: {  	_ =	shalt  }
0x76: {  	_ =	shalt  }
0x77: {  	_ =	shalt  }
0x78: {  	_ =	shalt  }
0x79: {  	_ =	shalt  }
0x7a: {  	_ =	shalt  }
0x7b: {  	_ =	shalt  }
0x7c: {  	_ =	shalt  }
0x7d: {  	_ =	shalt  }
0x7e: {  	_ =	shalt  }
0x7f: {  	_ =	shalt  }
0x80: {  	_ =	shalt  }
0x81: {  	_ =	shalt  }
0x82: {  	_ =	shalt  }
0x83: {  	_ =	shalt  }
0x84: {  	_ =	shalt  }
0x85: {  	_ =	shalt  }
0x86: {  	_ =	shalt  }
0x87: {  	_ =	shalt  }
.Lfunc_end0:
.L_simem_size_0:
called_computation_lowered:
.L_overlay_start_0:
0x88: {  	s2 =	sld [smem:$0x3FD9]  }
0x89: {  	s3 =	sld [smem:$0x3FFE];
	_ =	sdelay $0x1  }
0x8a: {  	s1 =	srdreg.scid  }
0x8b: {  	s0 =	sand.u32 $0x1, s1  }
0x8c: {  	s17 =	sshll.u32 s0, $0xA;
	s2 =	sadd.s32 s3, s2  }
0x8d: {  	s2 =	sadd.s32 s2, s17  }
0x8e: {  	[smem:$0x3FC6] =	sst s2  }
0x8f: {  	_ = 	snop  }
0x90: {  	s2 =	sld [smem:$0x3FD0];
	(tm) =	ssettm $0x1  }
0x91: {  	s18 =	sld [smem:$0x3FFB];
	_ =	sdelay $0x3  }
0x92: {  	_ =	strace s18  }
0x93: {  	s3 =	sld [smem:$0x3FFC];
	_ =	sdelay $0x3  }
0x94: {  	_ =	strace s3  }
0x95: {  	s3 =	sld [smem:$0x3FFD];
	_ =	sdelay $0x3  }
0x96: {  	_ =	strace s3  }
0x97: {  	_ =	strace $0x8FFFFFFF  }
0x98: {  	s19 =	sld [smem:$0x3FDB];
	_ =	sdelay $0x1  }
0x99: {  	s4 =	simm.s32 $_scs_section_size  }
0x9a: {  	s5 =	simm.s32 $_size__tile_overlayer_lowered;
	s6 =	simm.s32 $_tile_overlayer_lowered  }
0x9b: {  	s22 =	simm.s32 $0x1BFF;
	s21 =	sshll.u32 s6, $0x1;
	s3 =	sadd.s32 s4, s19  }
0x9c: {  	s7 =	simm.s32 $0x0;
	s20 =	sshll.u32 s5, $0x1;
	s5 =	sadd.s32 s21, s3  }
0x9d: {  	[timem:s7], [sflag:s22] =	dma.local [hbm:s5], s20  }
0x9e: {  	_ =	swait.ge [sflag:s22], s20  }
0x9f: {  	s4 =	ssub.s32 $0x0, s20;
	[sflag:s22] =	ssyncset.done $0x0  }
0xa0: {  	[sflag:s22] =	ssyncadd.s32 s4;
	_ =	sdelay $0x1  }
0xa1: {  	s23 =	simm.s32 $0x1B8B  }
0xa2: {  	_ =	swait.ge [sflag:s23], $0x1  }
0xa3: {  	[sflag:s23] =	ssyncset.done $0x0  }
0xa4: {  	s25 =	simm.s32 $0x1B8E;
	s24 =	sld [smem:$0x3FFE];
	[sflag:s23] =	ssyncadd.s32 $0xFFFFFFFF  }
0xa5: {  	s26 =	simm.s32 $execute0_lowered;
	[smem:$0x3FD2] =	sst s25  }
0xa6: {  	s5 =	sshll.u32 s26, $0x1;
	_ =	strace $0x80000046;
	[dreg:$0x1] =	wrdreg $0xFFFFFFFF  }
0xa7: {  	s28 =	simm.s32 $_size_execute0_lowered;
	s3 =	sadd.s32 s3, s5;
	[dreg:$0x0] =	wrdreg $0x0  }
0xa8: {  	s5 =	sshll.u32 s28, $0x1;
	[dreg:$0x2] =	wrdreg s3  }
0xa9: {  	[dreg:$0x3] =	wrdreg s5  }
0xaa: {  	[dreg:$0x4] =	wrdreg $0xC0  }
0xab: {  	_ =	task [dreg:s7], $0x5FFFF  }
0xac: {  	[dreg:$0x1] =	wrdreg $0xFFFFFFFF  }
0xad: {  	[dreg:$0x0] =	wrdreg $0x60  }
0xae: {  	[dreg:$0x2] =	wrdreg s24  }
0xaf: {  	[dreg:$0x3] =	wrdreg s2  }
0xb0: {  	[dreg:$0x4] =	wrdreg $0x9  }
0xb1: {  	_ =	task.clear_ibuf [dreg:s7], $0x5FFFF;
	_ =	strace $0x90000046  }
0xb2: {  	s29 =	simm.s32 $0x9;
	_ =	strace $0x80000048  }
0xb3: {  	_ =	swait.ge [sflag:s29], $0x1  }
0xb4: {  	[sflag:s29] =	ssyncadd.s32 $0xFFFFFFFF  }
0xb5: {  	_ =	strace $0x90000048  }
0xb6: {  	_ =	sfence  }
0xb7: {  	s30 =	sld [smem:$0x0];
	_ =	sdelay $0x2  }
0xb8: {  	s31 =	sshll.u32 s1, $0xD;
	s1 =	sshrl.u32 s1, $0x2  }
0xb9: {  	s3 =	sand.u32 $0x4000, s31;
	s1 =	sadd.s32 s1, s30  }
0xba: {  	s0 =	sor.u32 s3, s0;
	s1 =	sshll.u32 s1, $0x11  }
0xbb: {  	s0 =	sor.u32 s1, s0  }
0xbc: {  	s0 =	sadd.s32 $0x8F2B, s0  }
0xbd: {  	[sflag:s0] =	ssyncadd.remote.s32 $0x1  }
0xbe: {  	_ =	sfence.sel $0xFFFF  }
0xbf: {  	[dreg:$0x0] =	wrdreg $0xFFFFFFFF;
	(pc) =	sbr.abs _section_cstart, $3  }
0xc0: {  	[dreg:$0x1] =	wrdreg $0xFFFFFFFF  }
0xc1: {  	_ =	task.clear_ibuf [dreg:s7], $0x2FFFF;
	_ =	strace $0x9FFFFFFF  }
0xc2: {  	(tm) =	ssettm $0x7FFFFFFF  }
0xc3: {  	_ =	shalt  }
tec
execute0_lowered:
.L_overlay_start_1:
0x0: {  	(tag) =	ssettag $0x1  }
0x1: {  	s1 =	srdreg.scid;
	s0 =	stileid.u32  }
0x2: {  	s1 =	sand.u32 $0x1, s1;
	s2 =	sshll.u32 s0, $0x1  }
0x3: {  	s17 =	sor.u32 s1, s2  }
0x4: {  	s3 =	smul.u32 $0x320, s17  }
0x5: {  	s4 =	rddreg [dreg:$0x0]  }
0x6: {  	s18 =	rddreg [dreg:$0x1];
	s2 =	simm.s32 $0x0;
	s3 =	sadd.s32 s3, s4  }
0x7: {  	[smem:$0x7FF] =	sst s2;
	s3 =	sadd.s32 $0x600, s3  }
0x8: {  	_ =	strace $0x80000047;
	[dreg:$0x3] =	wrdreg s3  }
0x9: {  	s3 =	simm.s32 $0x3;
	s5 =	rddreg [dreg:$0x3]  }
0xa: {  	[tilespmem:s2], [sflag:$0x3] =	stream.linear.gather [hbm4b:s5+s2], $0x1900, $0x38;
	[tilespmem:$0x1A900] =	vst v63  }
0xb: {  	_ =	swait.ge [sflag:s3], $0x1900  }
0xc: {  	s6 =	simm.s32 $0x1900;
	[sflag:s3] =	ssyncset.done $0x0  }
0xd: {  	s4 =	sadd.s32 $0xF42A00, s4;
	s5 =	simm.s32 $0x280;
	[sflag:s3] =	ssyncadd.s32 $0xFFFFE700  }
0xe: {  	[tilespmem:s6], [sflag:$0x1] =	stream.indirect.gather [hbm4b:s4+s5], $0x20, s2, s5, $0xb8;
	[tilespmem:$0x1A900] =	vst v63  }
0xf: {  	s7 =	simm.s32 $0x6900  }
0x10: {  	[tilespmem:s7], [sflag:$0x1] =	stream.indirect.gather [hbm4b:s4+s5], $0x20, s5, s5, $0xb8;
	[tilespmem:$0x1A900] =	vst v63  }
0x11: {  	s8 =	simm.s32 $0x500;
	s9 =	simm.s32 $0xB900  }
0x12: {  	[tilespmem:s9], [sflag:$0x1] =	stream.indirect.gather [hbm4b:s4+s5], $0x20, s8, s5, $0xb8;
	[tilespmem:$0x1A900] =	vst v63  }
0x13: {  	s10 =	simm.s32 $0x780;
	s11 =	simm.s32 $0x10900  }
0x14: {  	[tilespmem:s11], [sflag:$0x1] =	stream.indirect.gather [hbm4b:s4+s5], $0x20, s10, s5, $0xb8;
	[tilespmem:$0x1A900] =	vst v63  }
0x15: {  	s12 =	simm.s32 $0xA00;
	s13 =	simm.s32 $0x15900;
	s14 =	simm.s32 $0x1  }
0x16: {  	[tilespmem:s13], [sflag:$0x1] =	stream.indirect.gather [hbm4b:s4+s5], $0x20, s12, s5, $0xb8;
	[tilespmem:$0x1A900] =	vst v63  }
0x17: {  	s15 =	smul.u32 $0x6400, s17;
	_ =	swait.ge [sflag:s14], $0x5000  }
0x18: {  	[sflag:s14] =	ssyncset.done $0x0  }
0x19: {  	s16 =	sadd.s32 s18, s15;
	s15 =	simm.s32 $0x2;
	[sflag:s14] =	ssyncadd.s32 $0xFFFFB000  }
0x1a: {  	[hbm4b:s16+s2] =	stream.linear.scatter [tilespmem:s6], [sflag:$0x2], $0x5000, $0x38;
	[tilespmem:$0x1A900] =	vst v63  }
0x1b: {  	_ =	swait.ge [sflag:s15], $0x5000  }
0x1c: {  	[sflag:s15] =	ssyncset.done $0x0  }
0x1d: {  	s19 =	smul.u32 $0x32000, s17;
	s17 =	simm.s32 $0xC80;
	[sflag:s15] =	ssyncadd.s32 $0xFFFFB000  }
0x1e: {  	[tilespmem:s6], [sflag:$0x1] =	stream.indirect.gather [hbm4b:s4+s5], $0x20, s17, s5, $0xb8;
	[tilespmem:$0x1A900] =	vst v63  }
0x1f: {  	s19 =	sshrl.u32 s19, $0x3;
	_ =	swait.ge [sflag:s14], $0x5000  }
0x20: {  	s31 =	sadd.s32 s18, s19;
	[sflag:s14] =	ssyncset.done $0x0  }
0x21: {  	s18 =	sadd.s32 $0xA00, s31;
	[sflag:s14] =	ssyncadd.s32 $0xFFFFB000  }
0x22: {  	[hbm4b:s18+s2] =	stream.linear.scatter [tilespmem:s7], [sflag:$0x2], $0x5000, $0x38;
	[tilespmem:$0x1A900] =	vst v63  }
0x23: {  	_ =	swait.ge [sflag:s15], $0x5000  }
0x24: {  	[sflag:s15] =	ssyncset.done $0x0  }
0x25: {  	s19 =	simm.s32 $0xF00;
	[sflag:s15] =	ssyncadd.s32 $0xFFFFB000  }
0x26: {  	[tilespmem:s7], [sflag:$0x1] =	stream.indirect.gather [hbm4b:s4+s5], $0x20, s19, s5, $0xb8;
	[tilespmem:$0x1A900] =	vst v63  }
0x27: {  	_ =	swait.ge [sflag:s14], $0x5000  }
0x28: {  	[sflag:s14] =	ssyncset.done $0x0  }
0x29: {  	s20 =	sadd.s32 $0x1400, s31;
	[sflag:s14] =	ssyncadd.s32 $0xFFFFB000  }
0x2a: {  	[hbm4b:s20+s2] =	stream.linear.scatter [tilespmem:s9], [sflag:$0x2], $0x5000, $0x38;
	[tilespmem:$0x1A900] =	vst v63  }
0x2b: {  	_ =	swait.ge [sflag:s15], $0x5000  }
0x2c: {  	[sflag:s15] =	ssyncset.done $0x0  }
0x2d: {  	s21 =	simm.s32 $0x1180;
	[sflag:s15] =	ssyncadd.s32 $0xFFFFB000  }
0x2e: {  	[tilespmem:s9], [sflag:$0x1] =	stream.indirect.gather [hbm4b:s4+s5], $0x20, s21, s5, $0xb8;
	[tilespmem:$0x1A900] =	vst v63  }
0x2f: {  	_ =	swait.ge [sflag:s14], $0x5000  }
0x30: {  	[sflag:s14] =	ssyncset.done $0x0  }
0x31: {  	s22 =	sadd.s32 $0x1E00, s31;
	[sflag:s14] =	ssyncadd.s32 $0xFFFFB000  }
0x32: {  	[hbm4b:s22+s2] =	stream.linear.scatter [tilespmem:s11], [sflag:$0x2], $0x5000, $0x38;
	[tilespmem:$0x1A900] =	vst v63  }
0x33: {  	_ =	swait.ge [sflag:s15], $0x5000  }
0x34: {  	[sflag:s15] =	ssyncset.done $0x0  }
0x35: {  	s23 =	simm.s32 $0x1400;
	[sflag:s15] =	ssyncadd.s32 $0xFFFFB000  }
0x36: {  	[tilespmem:s11], [sflag:$0x1] =	stream.indirect.gather [hbm4b:s4+s5], $0x20, s23, s5, $0xb8;
	[tilespmem:$0x1A900] =	vst v63  }
0x37: {  	_ =	swait.ge [sflag:s14], $0x5000  }
0x38: {  	[sflag:s14] =	ssyncset.done $0x0  }
0x39: {  	s24 =	sadd.s32 $0x2800, s31;
	[sflag:s14] =	ssyncadd.s32 $0xFFFFB000  }
0x3a: {  	[hbm4b:s24+s2] =	stream.linear.scatter [tilespmem:s13], [sflag:$0x2], $0x5000, $0x38;
	[tilespmem:$0x1A900] =	vst v63  }
0x3b: {  	_ =	swait.ge [sflag:s15], $0x5000  }
0x3c: {  	[sflag:s15] =	ssyncset.done $0x0  }
0x3d: {  	s25 =	simm.s32 $0x1680;
	[sflag:s15] =	ssyncadd.s32 $0xFFFFB000  }
0x3e: {  	[tilespmem:s13], [sflag:$0x1] =	stream.indirect.gather [hbm4b:s4+s5], $0x20, s25, s5, $0xb8;
	[tilespmem:$0x1A900] =	vst v63  }
0x3f: {  	_ =	swait.ge [sflag:s14], $0x5000  }
0x40: {  	[sflag:s14] =	ssyncset.done $0x0  }
0x41: {  	s26 =	sadd.s32 $0x3200, s31;
	[sflag:s14] =	ssyncadd.s32 $0xFFFFB000  }
0x42: {  	[hbm4b:s26+s2] =	stream.linear.scatter [tilespmem:s6], [sflag:$0x2], $0x5000, $0x38;
	[tilespmem:$0x1A900] =	vst v63  }
0x43: {  	_ =	swait.ge [sflag:s14], $0x5000  }
0x44: {  	[sflag:s14] =	ssyncset.done $0x0  }
0x45: {  	s28 =	sadd.s32 $0x3C00, s31;
	[sflag:s14] =	ssyncadd.s32 $0xFFFFB000  }
0x46: {  	[hbm4b:s28+s2] =	stream.linear.scatter [tilespmem:s7], [sflag:$0x2], $0x5000, $0x38;
	[tilespmem:$0x1A900] =	vst v63  }
0x47: {  	_ =	swait.ge [sflag:s14], $0x5000  }
0x48: {  	[sflag:s14] =	ssyncset.done $0x0  }
0x49: {  	s29 =	sadd.s32 $0x4600, s31;
	[sflag:s14] =	ssyncadd.s32 $0xFFFFB000  }
0x4a: {  	[hbm4b:s29+s2] =	stream.linear.scatter [tilespmem:s9], [sflag:$0x2], $0x5000, $0x38;
	[tilespmem:$0x1A900] =	vst v63  }
0x4b: {  	_ =	swait.ge [sflag:s14], $0x5000  }
0x4c: {  	[sflag:s14] =	ssyncset.done $0x0  }
0x4d: {  	s30 =	sadd.s32 $0x5000, s31;
	[sflag:s14] =	ssyncadd.s32 $0xFFFFB000  }
0x4e: {  	[hbm4b:s30+s2] =	stream.linear.scatter [tilespmem:s11], [sflag:$0x2], $0x5000, $0x38;
	[tilespmem:$0x1A900] =	vst v63  }
0x4f: {  	_ =	swait.ge [sflag:s14], $0x5000  }
0x50: {  	[sflag:s14] =	ssyncset.done $0x0  }
0x51: {  	s31 =	sadd.s32 $0x5A00, s31;
	[sflag:s14] =	ssyncadd.s32 $0xFFFFB000  }
0x52: {  	[hbm4b:s31+s2] =	stream.linear.scatter [tilespmem:s13], [sflag:$0x2], $0x5000, $0x38;
	[tilespmem:$0x1A900] =	vst v63  }
0x53: {  	_ =	swait.ge [sflag:s15], $0x5000  }
0x54: {  	[sflag:s15] =	ssyncset.done $0x0  }
0x55: {  	[sflag:s15] =	ssyncadd.s32 $0xFFFFB000  }
0x56: {  	s1 =	ssub.s32 $0x2, s1;
	_ =	swait.ge [sflag:s15], $0x5000  }
0x57: {  	s0 =	sshrl.u32 s1, $0x1;
	[sflag:s15] =	ssyncset.done $0x0  }
0x58: {  	s0 =	ssub.s32 s1, s0;
	[sflag:s15] =	ssyncadd.s32 $0xFFFFB000  }
0x59: {  	s0 =	smax.u32 s0, $0x1;
	_ =	swait.ge [sflag:s15], $0x5000  }
0x5a: {  	p0 =	sne.s32 s0, $0x1;
	[sflag:s15] =	ssyncset.done $0x0  }
.Ltmp0:
0x5b: {  	[sflag:s15] =	ssyncadd.s32 $0xFFFFB000;
	(pc) =	sbr.rel @!p0 .LBB2_2-.Ltmp0, $4  }
0x5c: {  	_ =	swait.ge [sflag:s15], $0x5000  }
0x5d: {  	[sflag:s15] =	ssyncset.done $0x0  }
0x5e: {  	[sflag:s15] =	ssyncadd.s32 $0xFFFFB000  }
0x5f: {  	s1 =	sadd.s32 $0xFFFFFFFF, s0;
	_ =	swait.ge [sflag:s15], $0x5000  }
.LBB2_1:
0x60: {  	[sflag:s15] =	ssyncset.done $0x0  }
0x61: {  	s0 =	rddreg [dreg:$0x3];
	[sflag:s15] =	ssyncadd.s32 $0xFFFFB000  }
0x62: {  	[tilespmem:s2], [sflag:$0x3] =	stream.linear.gather [hbm4b:s0+s2], $0x1900, $0x38;
	[tilespmem:$0x1A900] =	vst v63  }
0x63: {  	_ =	swait.ge [sflag:s3], $0x1900  }
0x64: {  	[sflag:s3] =	ssyncset.done $0x0  }
0x65: {  	[sflag:s3] =	ssyncadd.s32 $0xFFFFE700  }
0x66: {  	[tilespmem:s6], [sflag:$0x1] =	stream.indirect.gather [hbm4b:s4+s5], $0x20, s2, s5, $0xb8;
	[tilespmem:$0x1A900] =	vst v63  }
0x67: {  	_ = 	snop  }
0x68: {  	[tilespmem:s7], [sflag:$0x1] =	stream.indirect.gather [hbm4b:s4+s5], $0x20, s5, s5, $0xb8;
	[tilespmem:$0x1A900] =	vst v63  }
0x69: {  	_ = 	snop  }
0x6a: {  	[tilespmem:s9], [sflag:$0x1] =	stream.indirect.gather [hbm4b:s4+s5], $0x20, s8, s5, $0xb8;
	[tilespmem:$0x1A900] =	vst v63  }
0x6b: {  	_ = 	snop  }
0x6c: {  	[tilespmem:s11], [sflag:$0x1] =	stream.indirect.gather [hbm4b:s4+s5], $0x20, s10, s5, $0xb8;
	[tilespmem:$0x1A900] =	vst v63  }
0x6d: {  	_ = 	snop  }
0x6e: {  	[tilespmem:s13], [sflag:$0x1] =	stream.indirect.gather [hbm4b:s4+s5], $0x20, s12, s5, $0xb8;
	[tilespmem:$0x1A900] =	vst v63  }
0x6f: {  	_ =	swait.ge [sflag:s14], $0x5000  }
0x70: {  	[sflag:s14] =	ssyncset.done $0x0  }
0x71: {  	[sflag:s14] =	ssyncadd.s32 $0xFFFFB000  }
0x72: {  	[hbm4b:s16+s2] =	stream.linear.scatter [tilespmem:s6], [sflag:$0x2], $0x5000, $0x38;
	[tilespmem:$0x1A900] =	vst v63  }
0x73: {  	_ =	swait.ge [sflag:s15], $0x5000  }
0x74: {  	[sflag:s15] =	ssyncset.done $0x0  }
0x75: {  	[sflag:s15] =	ssyncadd.s32 $0xFFFFB000  }
0x76: {  	[tilespmem:s6], [sflag:$0x1] =	stream.indirect.gather [hbm4b:s4+s5], $0x20, s17, s5, $0xb8;
	[tilespmem:$0x1A900] =	vst v63  }
0x77: {  	_ =	swait.ge [sflag:s14], $0x5000  }
0x78: {  	[sflag:s14] =	ssyncset.done $0x0  }
0x79: {  	[sflag:s14] =	ssyncadd.s32 $0xFFFFB000  }
0x7a: {  	[hbm4b:s18+s2] =	stream.linear.scatter [tilespmem:s7], [sflag:$0x2], $0x5000, $0x38;
	[tilespmem:$0x1A900] =	vst v63  }
0x7b: {  	_ =	swait.ge [sflag:s15], $0x5000  }
0x7c: {  	[sflag:s15] =	ssyncset.done $0x0  }
0x7d: {  	[sflag:s15] =	ssyncadd.s32 $0xFFFFB000  }
0x7e: {  	[tilespmem:s7], [sflag:$0x1] =	stream.indirect.gather [hbm4b:s4+s5], $0x20, s19, s5, $0xb8;
	[tilespmem:$0x1A900] =	vst v63  }
0x7f: {  	_ =	swait.ge [sflag:s14], $0x5000  }
0x80: {  	[sflag:s14] =	ssyncset.done $0x0  }
0x81: {  	[sflag:s14] =	ssyncadd.s32 $0xFFFFB000  }
0x82: {  	[hbm4b:s20+s2] =	stream.linear.scatter [tilespmem:s9], [sflag:$0x2], $0x5000, $0x38;
	[tilespmem:$0x1A900] =	vst v63  }
0x83: {  	_ =	swait.ge [sflag:s15], $0x5000  }
0x84: {  	[sflag:s15] =	ssyncset.done $0x0  }
0x85: {  	[sflag:s15] =	ssyncadd.s32 $0xFFFFB000  }
0x86: {  	[tilespmem:s9], [sflag:$0x1] =	stream.indirect.gather [hbm4b:s4+s5], $0x20, s21, s5, $0xb8;
	[tilespmem:$0x1A900] =	vst v63  }
0x87: {  	_ =	swait.ge [sflag:s14], $0x5000  }
0x88: {  	[sflag:s14] =	ssyncset.done $0x0  }
0x89: {  	[sflag:s14] =	ssyncadd.s32 $0xFFFFB000  }
0x8a: {  	[hbm4b:s22+s2] =	stream.linear.scatter [tilespmem:s11], [sflag:$0x2], $0x5000, $0x38;
	[tilespmem:$0x1A900] =	vst v63  }
0x8b: {  	_ =	swait.ge [sflag:s15], $0x5000  }
0x8c: {  	[sflag:s15] =	ssyncset.done $0x0  }
0x8d: {  	[sflag:s15] =	ssyncadd.s32 $0xFFFFB000  }
0x8e: {  	[tilespmem:s11], [sflag:$0x1] =	stream.indirect.gather [hbm4b:s4+s5], $0x20, s23, s5, $0xb8;
	[tilespmem:$0x1A900] =	vst v63  }
0x8f: {  	_ =	swait.ge [sflag:s14], $0x5000  }
0x90: {  	[sflag:s14] =	ssyncset.done $0x0  }
0x91: {  	[sflag:s14] =	ssyncadd.s32 $0xFFFFB000  }
0x92: {  	[hbm4b:s24+s2] =	stream.linear.scatter [tilespmem:s13], [sflag:$0x2], $0x5000, $0x38;
	[tilespmem:$0x1A900] =	vst v63  }
0x93: {  	_ =	swait.ge [sflag:s15], $0x5000  }
0x94: {  	[sflag:s15] =	ssyncset.done $0x0  }
0x95: {  	[sflag:s15] =	ssyncadd.s32 $0xFFFFB000  }
0x96: {  	[tilespmem:s13], [sflag:$0x1] =	stream.indirect.gather [hbm4b:s4+s5], $0x20, s25, s5, $0xb8;
	[tilespmem:$0x1A900] =	vst v63  }
0x97: {  	_ =	swait.ge [sflag:s14], $0x5000  }
0x98: {  	[sflag:s14] =	ssyncset.done $0x0  }
0x99: {  	[sflag:s14] =	ssyncadd.s32 $0xFFFFB000  }
0x9a: {  	[hbm4b:s26+s2] =	stream.linear.scatter [tilespmem:s6], [sflag:$0x2], $0x5000, $0x38;
	[tilespmem:$0x1A900] =	vst v63  }
0x9b: {  	_ =	swait.ge [sflag:s14], $0x5000  }
0x9c: {  	[sflag:s14] =	ssyncset.done $0x0  }
0x9d: {  	[sflag:s14] =	ssyncadd.s32 $0xFFFFB000  }
0x9e: {  	[hbm4b:s28+s2] =	stream.linear.scatter [tilespmem:s7], [sflag:$0x2], $0x5000, $0x38;
	[tilespmem:$0x1A900] =	vst v63  }
0x9f: {  	_ =	swait.ge [sflag:s14], $0x5000  }
0xa0: {  	[sflag:s14] =	ssyncset.done $0x0  }
0xa1: {  	[sflag:s14] =	ssyncadd.s32 $0xFFFFB000  }
0xa2: {  	[hbm4b:s29+s2] =	stream.linear.scatter [tilespmem:s9], [sflag:$0x2], $0x5000, $0x38;
	[tilespmem:$0x1A900] =	vst v63  }
0xa3: {  	_ =	swait.ge [sflag:s14], $0x5000  }
0xa4: {  	[sflag:s14] =	ssyncset.done $0x0  }
0xa5: {  	[sflag:s14] =	ssyncadd.s32 $0xFFFFB000  }
0xa6: {  	[hbm4b:s30+s2] =	stream.linear.scatter [tilespmem:s11], [sflag:$0x2], $0x5000, $0x38;
	[tilespmem:$0x1A900] =	vst v63  }
0xa7: {  	_ =	swait.ge [sflag:s14], $0x5000  }
0xa8: {  	[sflag:s14] =	ssyncset.done $0x0  }
0xa9: {  	[sflag:s14] =	ssyncadd.s32 $0xFFFFB000  }
0xaa: {  	[hbm4b:s31+s2] =	stream.linear.scatter [tilespmem:s13], [sflag:$0x2], $0x5000, $0x38;
	[tilespmem:$0x1A900] =	vst v63  }
0xab: {  	_ =	swait.ge [sflag:s15], $0x5000  }
0xac: {  	[sflag:s15] =	ssyncset.done $0x0  }
0xad: {  	[sflag:s15] =	ssyncadd.s32 $0xFFFFB000  }
0xae: {  	_ =	swait.ge [sflag:s15], $0x5000  }
0xaf: {  	[sflag:s15] =	ssyncset.done $0x0  }
0xb0: {  	[sflag:s15] =	ssyncadd.s32 $0xFFFFB000  }
0xb1: {  	_ =	swait.ge [sflag:s15], $0x5000  }
0xb2: {  	p0 =	sne.s32 s1, $0x1;
	[sflag:s15] =	ssyncset.done $0x0  }
.Ltmp1:
0xb3: {  	[sflag:s15] =	ssyncadd.s32 $0xFFFFB000;
	(pc) =	sbr.rel @p0 .LBB2_1-.Ltmp1, $4  }
0xb4: {  	_ =	swait.ge [sflag:s15], $0x5000  }
0xb5: {  	[sflag:s15] =	ssyncset.done $0x0  }
0xb6: {  	[sflag:s15] =	ssyncadd.s32 $0xFFFFB000  }
0xb7: {  	s1 =	sadd.s32 $0xFFFFFFFF, s1;
	_ =	swait.ge [sflag:s15], $0x5000  }
.LBB2_2:
0xb8: {  	[sflag:s15] =	ssyncset.done $0x0  }
0xb9: {  	[sflag:s15] =	ssyncadd.s32 $0xFFFFB000  }
0xba: {  	_ =	sfence.sel $0x180000  }
0xbb: {  	[bflag:$0x0] =	sbarrier.arrive $0xFFFF  }
0xbc: {  	_ =	strace $0x90000047  }
0xbd: {  	s0 =	stileid.u32;
	[bflag:$0x2] =	sbarrier.arrive $0xFFFF  }
0xbe: {  	p0 =	sne.s32 s0, $0x0;
	s0 =	rddreg [dreg:$0x2]  }
0xbf: {  	s0 =	sadd.s32 @!p0 $0x100000, s0  }
0xc0: {  	[sflag:s0] =	ssyncadd.tile.s32 @!p0 $0x1;
	_ =	shalt  }
.Lfunc_end2:
_tile_overlayer_lowered:
.L_overlay_start_2:
0xc1: {  	(tag) =	ssettag $0x2  }
0xc2: {  	s0 =	rddreg [dreg:$0x0];
	s2 =	stileid.u32  }
0xc3: {  	s1 =	rddreg [dreg:$0x1];
	p0 =	sne.s32 s2, $0x0  }
0xc4: {  	s3 =	rddreg [dreg:$0x2];
	[bflag:$0x3] =	sbarrier.arrive $0xFFFF;
	s2 =	simm.s32 @!p0 $0x1C03  }
0xc5: {  	[timem:s3], [sflag:s2] =	dma.local @!p0 [hbm:s0], s1  }
0xc6: {  	s0 =	simm.s32 @!p0 $0x3  }
0xc7: {  	_ =	swait.ge @!p0 [sflag:s0], s1  }
0xc8: {  	s1 =	ssub.s32 @!p0 $0x0, s1;
	[sflag:s0] =	ssyncset.done @!p0 $0x0  }
0xc9: {  	[sflag:s0] =	ssyncadd.s32 @!p0 s1  }
0xca: {  	[bflag:$0x3] =	sbarrier.arrive $0xFFFF  }
0xcb: {  	_ =	shalt  }

</sc_bundles>
